<compile_context>
chip_gen: v7x
topology: tpu7x:2x2x1
jax: 0.10.2.dev20260603
libtpu: 0.0.44.dev20260713+nightly
codegen_flags: <defaults>
</compile_context>

<pallas_src>
import functools

import jax
import jax.numpy as jnp
from jax import lax
from jax.experimental import pallas as pl
from jax.experimental.pallas import tpu as pltpu
from jax.experimental.pallas import tpu_sc as plsc

N = 10000
NP = 10240
DIN = 239
DINP = 256
D = 128
R = 4
C = 2
DC = 32
NCHUNK = D // DC
E = 320000
BLK = 128
NSUB = 16
NCORE = 2
NBLK = 157
EPT = NBLK * BLK
EP = EPT * NSUB
NSEG = R * NP
RPT = NSEG // NSUB
CPY = 512

_f32 = jnp.float32
_i32 = jnp.int32



def _stage1_body(x_ref, w_ref, b_ref, h_ref, h4_ref):
    h = jnp.dot(x_ref[...], w_ref[...], preferred_element_type=_f32)
    h = h + b_ref[...]
    h = jnp.where(h > 0, h, 0.01 * h)
    h_ref[...] = h
    for c in range(NCHUNK):
        h4_ref[c] = h[:, c * DC:(c + 1) * DC]


def _stage1(xp, wp, b):
    bn = 512
    grid = NP // bn
    return pl.pallas_call(
        _stage1_body,
        grid=(grid,),
        in_specs=[
            pl.BlockSpec((bn, DINP), lambda i: (i, 0)),
            pl.BlockSpec((DINP, D), lambda i: (0, 0)),
            pl.BlockSpec((1, D), lambda i: (0, 0)),
        ],
        out_specs=[
            pl.BlockSpec((bn, D), lambda i: (i, 0)),
            pl.BlockSpec((NCHUNK, bn, DC), lambda i: (0, i, 0)),
        ],
        out_shape=[
            jax.ShapeDtypeStruct((NP, D), _f32),
            jax.ShapeDtypeStruct((NCHUNK, NP, DC), _f32),
        ],
    )(xp, wp, b)



def _sc_body(h4, srcp, dstp, typp, sums_out, cnt_out,
             acc, cntacc, src_v, dst_v, typ_v, gidx_v, seg_v, segc_v,
             rows_v, ones_v, zbuf, zflat, cbuf, cflat, sem):
    core = lax.axis_index("c")
    sub = lax.axis_index("s")
    zv = jnp.zeros((16,), _f32)

    for i in range(BLK // 16):
        ones_v[pl.ds(i * 16, 16)] = zv + 1.0

    def _zb(i, carry):
        zbuf[i, pl.ds(0, 16)] = zv
        zbuf[i, pl.ds(16, 16)] = zv
        return carry
    lax.fori_loop(0, CPY, _zb, 0)

    def _zf(i, carry):
        zflat[pl.ds(i * 16, 16)] = zv
        return carry
    lax.fori_loop(0, RPT // 16, _zf, 0)

    for rd in range(2):
        chunk = rd * NCORE + core
        gbase = chunk * NP

        for k in range(RPT // CPY):
            pltpu.sync_copy(zbuf, acc.at[pl.ds(sub * RPT + k * CPY, CPY)])
        if rd == 0:
            @pl.when(core == 0)
            def _():
                pltpu.sync_copy(zflat, cntacc.at[pl.ds(sub * RPT, RPT)])
        plsc.subcore_barrier()

        def _edge_block(b, carry):
            e0 = sub * EPT + b * BLK
            pltpu.sync_copy(srcp.at[pl.ds(e0, BLK)], src_v)
            pltpu.sync_copy(dstp.at[pl.ds(e0, BLK)], dst_v)
            pltpu.sync_copy(typp.at[pl.ds(e0, BLK)], typ_v)
            for i in range(BLK // 16):
                sl = pl.ds(i * 16, 16)
                s_ = src_v[sl]
                d_ = dst_v[sl]
                t_ = typ_v[sl]
                gidx_v[sl] = s_ + gbase
                seg_v[sl] = t_ * NP + d_
                if rd == 0:
                    segc_v[sl] = d_ * R + t_
            pltpu.async_copy(h4.at[gidx_v], rows_v, sem).wait()
            pltpu.sync_copy(rows_v, acc.at[seg_v], add=True)
            if rd == 0:
                @pl.when(core == 0)
                def _():
                    pltpu.sync_copy(ones_v, cntacc.at[segc_v], add=True)
            return carry
        lax.fori_loop(0, NBLK, _edge_block, 0)

        plsc.subcore_barrier()

        for k in range(RPT // CPY):
            r0 = sub * RPT + k * CPY
            pltpu.sync_copy(acc.at[pl.ds(r0, CPY)], cbuf)
            pltpu.sync_copy(cbuf, sums_out.at[chunk, pl.ds(r0, CPY)])
        if rd == 0:
            @pl.when(core == 0)
            def _():
                pltpu.sync_copy(cntacc.at[pl.ds(sub * RPT, RPT)], cflat)
                pltpu.sync_copy(cflat, cnt_out.at[pl.ds(sub * RPT, RPT)])
        plsc.subcore_barrier()


def _sc_agg(h4f, srcp, dstp, typp):
    mesh = plsc.VectorSubcoreMesh(
        core_axis_name="c", subcore_axis_name="s",
        num_cores=NCORE, num_subcores=NSUB)
    return pl.kernel(
        _sc_body,
        out_type=[
            jax.ShapeDtypeStruct((NCHUNK, NSEG, DC), _f32),
            jax.ShapeDtypeStruct((NSEG,), _f32),
        ],
        mesh=mesh,
        compiler_params=pltpu.CompilerParams(use_tc_tiling_on_sc=False),
        scratch_types=[
            pltpu.VMEM_SHARED((NSEG, DC), _f32),
            pltpu.VMEM_SHARED((NSEG,), _f32),
            pltpu.VMEM((BLK,), _i32),
            pltpu.VMEM((BLK,), _i32),
            pltpu.VMEM((BLK,), _i32),
            pltpu.VMEM((BLK,), _i32),
            pltpu.VMEM((BLK,), _i32),
            pltpu.VMEM((BLK,), _i32),
            pltpu.VMEM((BLK, DC), _f32),
            pltpu.VMEM((BLK,), _f32),
            pltpu.VMEM((CPY, DC), _f32),
            pltpu.VMEM((RPT,), _f32),
            pltpu.VMEM((CPY, DC), _f32),
            pltpu.VMEM((RPT,), _f32),
            pltpu.SemaphoreType.DMA,
        ],
    )(h4f, srcp, dstp, typp)



def _stage3_body(h_ref, sums_ref, cnt_ref, root_ref, bias_ref, wf_ref,
                 w1_ref, b1_ref, w2_ref, b2_ref, out_ref):
    t = jnp.dot(h_ref[...], root_ref[...], preferred_element_type=_f32)
    t = t + bias_ref[...]
    rec = 1.0 / jnp.maximum(cnt_ref[...], 1.0)
    pieces = []
    for r in range(R):
        rcol = rec[:, r:r + 1]
        for c in range(NCHUNK):
            pieces.append(sums_ref[c, r] * rcol)
    msg = jnp.concatenate(pieces, axis=1)
    t = t + jnp.dot(msg, wf_ref[...], preferred_element_type=_f32)
    u = jnp.dot(t, w1_ref[...], preferred_element_type=_f32) + b1_ref[...]
    u = jnp.where(u > 0, u, 0.01 * u)
    y = jnp.dot(u, w2_ref[...], preferred_element_type=_f32) + b2_ref[...]
    out_ref[...] = y


def _stage3(h, sums4, cnt2, root, bias, wflat, w1, b1, w2, b2):
    bn = 512
    grid = NP // bn
    return pl.pallas_call(
        _stage3_body,
        grid=(grid,),
        in_specs=[
            pl.BlockSpec((bn, D), lambda i: (i, 0)),
            pl.BlockSpec((NCHUNK, R, bn, DC), lambda i: (0, 0, i, 0)),
            pl.BlockSpec((bn, R), lambda i: (i, 0)),
            pl.BlockSpec((D, D), lambda i: (0, 0)),
            pl.BlockSpec((1, D), lambda i: (0, 0)),
            pl.BlockSpec((R * D, D), lambda i: (0, 0)),
            pl.BlockSpec((D, D), lambda i: (0, 0)),
            pl.BlockSpec((1, D), lambda i: (0, 0)),
            pl.BlockSpec((D, C), lambda i: (0, 0)),
            pl.BlockSpec((1, C), lambda i: (0, 0)),
        ],
        out_specs=pl.BlockSpec((bn, C), lambda i: (i, 0)),
        out_shape=jax.ShapeDtypeStruct((NP, C), _f32),
    )(h, sums4, cnt2, root, bias, wflat, w1, b1, w2, b2)



def kernel(x, edge_index, edge_type, W_in, b_in, rel_weight, root, bias,
           W1, b1, W2, b2):
    xp = jnp.pad(x, ((0, NP - N), (0, DINP - DIN)))
    wp = jnp.pad(W_in, ((0, DINP - DIN), (0, 0)))
    h, h4 = _stage1(xp, wp, b_in.reshape(1, D))
    h4f = h4.reshape(NCHUNK * NP, DC)

    npad = EP - E
    ar = jnp.arange(npad, dtype=_i32)
    srcp = jnp.concatenate([edge_index[0], ar % N])
    dstp = jnp.concatenate([edge_index[1], N + ar % (NP - N)])
    typp = jnp.concatenate([edge_type, ar % R])

    sums, cnt = _sc_agg(h4f, srcp, dstp, typp)
    sums4 = sums.reshape(NCHUNK, R, NP, DC)
    cnt2 = cnt.reshape(NP, R)

    out = _stage3(h, sums4, cnt2, root, bias.reshape(1, D),
                  rel_weight.reshape(R * D, D), W1, b1.reshape(1, D),
                  W2, b2.reshape(1, C))
    return out[:N]

# --- scband reference (transcript-rebuilt; emitter-appended) ---
"""Pipeline reference for scband-rgcn-57174604644555 (READ-ONLY COPY).

The authoritative reference and input builder live on the scoring server;
editing this copy changes nothing except your own understanding.
"""

import jax, jax.numpy as jnp
import numpy as np

N = 10000
E = 320000
D_IN = 239
D = 128
R = 4
C = 2


def leaky_relu(x):
    return jnp.where(x > 0, x, 0.01 * x)


def setup_inputs(seed: int = 0) -> dict:
    key = jax.random.key(seed)
    ks = jax.random.split(key, 13)
    x = jax.random.normal(ks[0], (N, D_IN), dtype=jnp.float32)
    edge_index = jax.random.randint(ks[1], (2, E), 0, N, dtype=jnp.int32)
    edge_type = jax.random.randint(ks[2], (E,), 0, R, dtype=jnp.int32)
    W_in = jax.random.normal(ks[3], (D_IN, D), dtype=jnp.float32) / np.sqrt(D_IN)
    b_in = jnp.zeros((D,), dtype=jnp.float32)
    rel_weight = jax.random.normal(ks[4], (R, D, D), dtype=jnp.float32) / np.sqrt(D)
    root = jax.random.normal(ks[5], (D, D), dtype=jnp.float32) / np.sqrt(D)
    bias = jnp.zeros((D,), dtype=jnp.float32)
    W1 = jax.random.normal(ks[6], (D, D), dtype=jnp.float32) / np.sqrt(D)
    b1 = jnp.zeros((D,), dtype=jnp.float32)
    W2 = jax.random.normal(ks[7], (D, C), dtype=jnp.float32) / np.sqrt(D)
    b2 = jnp.zeros((C,), dtype=jnp.float32)
    return {"x": x, "edge_index": edge_index, "edge_type": edge_type,
            "W_in": W_in, "b_in": b_in, "rel_weight": rel_weight, "root": root,
            "bias": bias, "W1": W1, "b1": b1, "W2": W2, "b2": b2}


def rgcn_conv(h, edge_index, edge_type, rel_weight, root, bias):
    # PyG RGCNConv: per-relation mean aggregation of source features at dst,
    # then per-relation linear transform; plus root transform and bias.
    src = edge_index[0]
    dst = edge_index[1]
    out = h @ root + bias
    h_src = h[src]  # gather [E, D]
    for r in range(R):
        mask = (edge_type == r).astype(h.dtype)  # [E]
        msgs = h_src * mask[:, None]
        summed = jax.ops.segment_sum(msgs, dst, num_segments=N)  # scatter-add [N, D]
        cnt = jax.ops.segment_sum(mask, dst, num_segments=N)  # [N]
        mean = summed / jnp.clip(cnt, 1.0, None)[:, None]
        out = out + mean @ rel_weight[r]
    return out


def reference(x, edge_index, edge_type, W_in, b_in, rel_weight, root, bias, W1, b1, W2, b2):
    h = leaky_relu(x @ W_in + b_in)
    h = rgcn_conv(h, edge_index, edge_type, rel_weight, root, bias)
    # F.dropout with training=False (eval) is identity
    h = leaky_relu(h @ W1 + b1)
    out = h @ W2 + b2
    return out

if __name__ == "__main__":
    import jax
    _d = setup_inputs()
    print(jax.jit(kernel)(*tuple(_d.values())))

</pallas_src>

<mosaic_0001>
#map = affine_map<(d0, d1) -> (0, 0)>
#map1 = affine_map<(d0, d1) -> (0)>
#map2 = affine_map<(d0, d1) -> (0, 0, 0)>
module attributes {stable_mosaic.version = 14 : i64} {
  func.func @_sc_body(%arg0: i32, %arg1: i32, %arg2: memref<40960x32xf32, #tpu.memory_space<hbm>>, %arg3: memref<321536xi32, #tpu.memory_space<hbm>>, %arg4: memref<321536xi32, #tpu.memory_space<hbm>>, %arg5: memref<321536xi32, #tpu.memory_space<hbm>>, %arg6: memref<4x40960x32xf32, #tpu.memory_space<hbm>>, %arg7: memref<40960xf32, #tpu.memory_space<hbm>>, %arg8: memref<40960x32xf32, #tpu.memory_space<vmem_shared>>, %arg9: memref<40960xf32, #tpu.memory_space<vmem_shared>>, %arg10: memref<128xi32, #tpu.memory_space<vmem>>, %arg11: memref<128xi32, #tpu.memory_space<vmem>>, %arg12: memref<128xi32, #tpu.memory_space<vmem>>, %arg13: memref<128xi32, #tpu.memory_space<vmem>>, %arg14: memref<128xi32, #tpu.memory_space<vmem>>, %arg15: memref<128xi32, #tpu.memory_space<vmem>>, %arg16: memref<128x32xf32, #tpu.memory_space<vmem>>, %arg17: memref<128xf32, #tpu.memory_space<vmem>>, %arg18: memref<512x32xf32, #tpu.memory_space<vmem>>, %arg19: memref<2560xf32, #tpu.memory_space<vmem>>, %arg20: memref<512x32xf32, #tpu.memory_space<vmem>>, %arg21: memref<2560xf32, #tpu.memory_space<vmem>>, %arg22: memref<!tpu.dma_semaphore, #tpu.memory_space<semaphore_mem>>) attributes {dimension_semantics = [#tpu.dimension_semantics<core_parallel>, #tpu.dimension_semantics<subcore_parallel>], iteration_bounds = array<i64: 2, 16>, scalar_prefetch = 0 : i64, scratch_operands = 15 : i64, tpu.core_type = #tpu.core_type<sc_vector_subcore>, window_params = [{transform_indices = #map}, {transform_indices = #map1}, {transform_indices = #map1}, {transform_indices = #map1}, {transform_indices = #map2}, {transform_indices = #map1}]} {
    %broadcast_in_dim3A = arith.constant 0.000000e+00 : f32
    %broadcast_in_dim3A_0 = vector.broadcast %broadcast_in_dim3A : f32 to vector<16xf32>
    %add3A = arith.constant 1.000000e+00 : f32
    %add3A_1 = vector.broadcast %add3A : f32 to vector<16xf32>
    %add3A_2 = arith.addf %broadcast_in_dim3A_0, %add3A_1 : vector<16xf32>
    %swap3A = arith.constant 0 : index
    %swap3A_3 = tpu.vector_load %arg17[%swap3A] {strides = array<i32>} : memref<128xf32, #tpu.memory_space<vmem>>, vector<16xf32>,
    %swap3A_4 = vector.shape_cast %swap3A_3 : vector<16xf32> to vector<16xf32>
    %swap3A_5 = vector.shape_cast %add3A_2 : vector<16xf32> to vector<16xf32>
    tpu.vector_store %arg17[%swap3A], %swap3A_5 {strides = array<i32>} : memref<128xf32, #tpu.memory_space<vmem>>, vector<16xf32>,
    %add3A_6 = arith.constant 1.000000e+00 : f32
    %add3A_7 = vector.broadcast %add3A_6 : f32 to vector<16xf32>
    %add3A_8 = arith.addf %broadcast_in_dim3A_0, %add3A_7 : vector<16xf32>
    %swap3A_9 = arith.constant 16 : index
    %swap3A_10 = tpu.vector_load %arg17[%swap3A_9] {strides = array<i32>} : memref<128xf32, #tpu.memory_space<vmem>>, vector<16xf32>,
    %swap3A_11 = vector.shape_cast %swap3A_10 : vector<16xf32> to vector<16xf32>
    %swap3A_12 = vector.shape_cast %add3A_8 : vector<16xf32> to vector<16xf32>
    tpu.vector_store %arg17[%swap3A_9], %swap3A_12 {strides = array<i32>} : memref<128xf32, #tpu.memory_space<vmem>>, vector<16xf32>,
    %add3A_13 = arith.constant 1.000000e+00 : f32
    %add3A_14 = vector.broadcast %add3A_13 : f32 to vector<16xf32>
    %add3A_15 = arith.addf %broadcast_in_dim3A_0, %add3A_14 : vector<16xf32>
    %swap3A_16 = arith.constant 32 : index
    %swap3A_17 = tpu.vector_load %arg17[%swap3A_16] {strides = array<i32>} : memref<128xf32, #tpu.memory_space<vmem>>, vector<16xf32>,
    %swap3A_18 = vector.shape_cast %swap3A_17 : vector<16xf32> to vector<16xf32>
    %swap3A_19 = vector.shape_cast %add3A_15 : vector<16xf32> to vector<16xf32>
    tpu.vector_store %arg17[%swap3A_16], %swap3A_19 {strides = array<i32>} : memref<128xf32, #tpu.memory_space<vmem>>, vector<16xf32>,
    %add3A_20 = arith.constant 1.000000e+00 : f32
    %add3A_21 = vector.broadcast %add3A_20 : f32 to vector<16xf32>
    %add3A_22 = arith.addf %broadcast_in_dim3A_0, %add3A_21 : vector<16xf32>
    %swap3A_23 = arith.constant 48 : index
    %swap3A_24 = tpu.vector_load %arg17[%swap3A_23] {strides = array<i32>} : memref<128xf32, #tpu.memory_space<vmem>>, vector<16xf32>,
    %swap3A_25 = vector.shape_cast %swap3A_24 : vector<16xf32> to vector<16xf32>
    %swap3A_26 = vector.shape_cast %add3A_22 : vector<16xf32> to vector<16xf32>
    tpu.vector_store %arg17[%swap3A_23], %swap3A_26 {strides = array<i32>} : memref<128xf32, #tpu.memory_space<vmem>>, vector<16xf32>,
    %add3A_27 = arith.constant 1.000000e+00 : f32
    %add3A_28 = vector.broadcast %add3A_27 : f32 to vector<16xf32>
    %add3A_29 = arith.addf %broadcast_in_dim3A_0, %add3A_28 : vector<16xf32>
    %swap3A_30 = arith.constant 64 : index
    %swap3A_31 = tpu.vector_load %arg17[%swap3A_30] {strides = array<i32>} : memref<128xf32, #tpu.memory_space<vmem>>, vector<16xf32>,
    %swap3A_32 = vector.shape_cast %swap3A_31 : vector<16xf32> to vector<16xf32>
    %swap3A_33 = vector.shape_cast %add3A_29 : vector<16xf32> to vector<16xf32>
    tpu.vector_store %arg17[%swap3A_30], %swap3A_33 {strides = array<i32>} : memref<128xf32, #tpu.memory_space<vmem>>, vector<16xf32>,
    %add3A_34 = arith.constant 1.000000e+00 : f32
    %add3A_35 = vector.broadcast %add3A_34 : f32 to vector<16xf32>
    %add3A_36 = arith.addf %broadcast_in_dim3A_0, %add3A_35 : vector<16xf32>
    %swap3A_37 = arith.constant 80 : index
    %swap3A_38 = tpu.vector_load %arg17[%swap3A_37] {strides = array<i32>} : memref<128xf32, #tpu.memory_space<vmem>>, vector<16xf32>,
    %swap3A_39 = vector.shape_cast %swap3A_38 : vector<16xf32> to vector<16xf32>
    %swap3A_40 = vector.shape_cast %add3A_36 : vector<16xf32> to vector<16xf32>
    tpu.vector_store %arg17[%swap3A_37], %swap3A_40 {strides = array<i32>} : memref<128xf32, #tpu.memory_space<vmem>>, vector<16xf32>,
    %add3A_41 = arith.constant 1.000000e+00 : f32
    %add3A_42 = vector.broadcast %add3A_41 : f32 to vector<16xf32>
    %add3A_43 = arith.addf %broadcast_in_dim3A_0, %add3A_42 : vector<16xf32>
    %swap3A_44 = arith.constant 96 : index
    %swap3A_45 = tpu.vector_load %arg17[%swap3A_44] {strides = array<i32>} : memref<128xf32, #tpu.memory_space<vmem>>, vector<16xf32>,
    %swap3A_46 = vector.shape_cast %swap3A_45 : vector<16xf32> to vector<16xf32>
    %swap3A_47 = vector.shape_cast %add3A_43 : vector<16xf32> to vector<16xf32>
    tpu.vector_store %arg17[%swap3A_44], %swap3A_47 {strides = array<i32>} : memref<128xf32, #tpu.memory_space<vmem>>, vector<16xf32>,
    %add3A_48 = arith.constant 1.000000e+00 : f32
    %add3A_49 = vector.broadcast %add3A_48 : f32 to vector<16xf32>
    %add3A_50 = arith.addf %broadcast_in_dim3A_0, %add3A_49 : vector<16xf32>
    %swap3A_51 = arith.constant 112 : index
    %swap3A_52 = tpu.vector_load %arg17[%swap3A_51] {strides = array<i32>} : memref<128xf32, #tpu.memory_space<vmem>>, vector<16xf32>,
    %swap3A_53 = vector.shape_cast %swap3A_52 : vector<16xf32> to vector<16xf32>
    %swap3A_54 = vector.shape_cast %add3A_50 : vector<16xf32> to vector<16xf32>
    tpu.vector_store %arg17[%swap3A_51], %swap3A_54 {strides = array<i32>} : memref<128xf32, #tpu.memory_space<vmem>>, vector<16xf32>,
    %scan3A = arith.constant 0 : i32
    %scan3A_55 = arith.constant 0 : i32
    %scan3A_56 = arith.constant 512 : i32
    %scan3A_57 = arith.addi %scan3A_55, %scan3A_56 : i32
    %scan3A_58 = arith.constant 1 : i32
    scf.for %scan3A_177 = %scan3A_55 to %scan3A_57 step %scan3A_58  : i32 {
      %swap3A_178 = arith.index_cast %scan3A_177 : i32 to index
      %swap3A_179 = arith.constant 0 : index
      %swap3A_180 = tpu.vector_load %arg18[%swap3A_178, %swap3A_179] {strides = array<i32>} : memref<512x32xf32, #tpu.memory_space<vmem>>, vector<1x16xf32>,
      %swap3A_181 = vector.shape_cast %swap3A_180 : vector<1x16xf32> to vector<16xf32>
      %swap3A_182 = vector.shape_cast %broadcast_in_dim3A_0 : vector<16xf32> to vector<1x16xf32>
      tpu.vector_store %arg18[%swap3A_178, %swap3A_179], %swap3A_182 {strides = array<i32>} : memref<512x32xf32, #tpu.memory_space<vmem>>, vector<1x16xf32>,
      %swap3A_183 = arith.index_cast %scan3A_177 : i32 to index
      %swap3A_184 = arith.constant 16 : index
      %swap3A_185 = tpu.vector_load %arg18[%swap3A_183, %swap3A_184] {strides = array<i32>} : memref<512x32xf32, #tpu.memory_space<vmem>>, vector<1x16xf32>,
      %swap3A_186 = vector.shape_cast %swap3A_185 : vector<1x16xf32> to vector<16xf32>
      %swap3A_187 = vector.shape_cast %broadcast_in_dim3A_0 : vector<16xf32> to vector<1x16xf32>
      tpu.vector_store %arg18[%swap3A_183, %swap3A_184], %swap3A_187 {strides = array<i32>} : memref<512x32xf32, #tpu.memory_space<vmem>>, vector<1x16xf32>,
    }
    %scan3A_59 = arith.constant 512 : i32
    %scan3A_60 = arith.constant 0 : i32
    %scan3A_61 = arith.constant 0 : i32
    %scan3A_62 = arith.constant 160 : i32
    %scan3A_63 = arith.addi %scan3A_61, %scan3A_62 : i32
    %scan3A_64 = arith.constant 1 : i32
    scf.for %scan3A_177 = %scan3A_61 to %scan3A_63 step %scan3A_64  : i32 {
      %mul3A_178 = arith.constant 16 : i32
      %mul3A_179 = arith.muli %scan3A_177, %mul3A_178 : i32
      %swap3A_180 = arith.index_cast %mul3A_179 : i32 to index
      %swap3A_181 = tpu.vector_load %arg19[%swap3A_180] {strides = array<i32>} : memref<2560xf32, #tpu.memory_space<vmem>>, vector<16xf32>,
      %swap3A_182 = vector.shape_cast %swap3A_181 : vector<16xf32> to vector<16xf32>
      %swap3A_183 = vector.shape_cast %broadcast_in_dim3A_0 : vector<16xf32> to vector<16xf32>
      tpu.vector_store %arg19[%swap3A_180], %swap3A_183 {strides = array<i32>} : memref<2560xf32, #tpu.memory_space<vmem>>, vector<16xf32>,
    }
    %scan3A_65 = arith.constant 160 : i32
    %add3A_66 = arith.constant 0 : i32
    %add3A_67 = arith.addi %add3A_66, %arg0 : i32
    %mul3A = arith.constant 10240 : i32
    %mul3A_68 = arith.muli %add3A_67, %mul3A : i32
    %mul3A_69 = arith.constant 2560 : i32
    %mul3A_70 = arith.muli %arg1, %mul3A_69 : i32
    %add3A_71 = arith.constant 0 : i32
    %add3A_72 = arith.addi %mul3A_70, %add3A_71 : i32
    "tpu.region"() ({
      %run_scoped3A = tpu.sem_alloc : memref<!tpu.dma_semaphore, #tpu.memory_space<semaphore_mem>>
      %dma_start3A = arith.constant 0 : i32
      %dma_start3A_177 = tpu.memref_slice %arg8[%add3A_72, %dma_start3A] : memref<40960x32xf32, #tpu.memory_space<vmem_shared>> -> memref<512x32xf32, #tpu.memory_space<vmem_shared>>
      %dma_start3A_178 = arith.constant 0 : i32
      %dma_start3A_179 = tpu.memref_slice %arg8[%add3A_72, %dma_start3A_178] : memref<40960x32xf32, #tpu.memory_space<vmem_shared>> -> memref<512x32xf32, #tpu.memory_space<vmem_shared>>
      tpu.enqueue_dma source(%arg18 : memref<512x32xf32, #tpu.memory_space<vmem>>) target(%dma_start3A_179 : memref<512x32xf32, #tpu.memory_space<vmem_shared>>) target_semaphore(%run_scoped3A : memref<!tpu.dma_semaphore, #tpu.memory_space<semaphore_mem>>)
      %dma_wait3A = arith.constant 0 : i32
      %dma_wait3A_180 = tpu.memref_slice %arg8[%add3A_72, %dma_wait3A] : memref<40960x32xf32, #tpu.memory_space<vmem_shared>> -> memref<512x32xf32, #tpu.memory_space<vmem_shared>>
      %dma_wait3A_181 = arith.constant 0 : i32
      %dma_wait3A_182 = tpu.memref_slice %arg8[%add3A_72, %dma_wait3A_181] : memref<40960x32xf32, #tpu.memory_space<vmem_shared>> -> memref<512x32xf32, #tpu.memory_space<vmem_shared>>
      tpu.wait_dma2 semaphore(%run_scoped3A : memref<!tpu.dma_semaphore, #tpu.memory_space<semaphore_mem>>) src(%arg18 : memref<512x32xf32, #tpu.memory_space<vmem>>) dst(%dma_wait3A_182 : memref<512x32xf32, #tpu.memory_space<vmem_shared>>)
      tpu.yield
    }) : () -> ()
    %mul3A_73 = arith.constant 2560 : i32
    %mul3A_74 = arith.muli %arg1, %mul3A_73 : i32
    %add3A_75 = arith.constant 512 : i32
    %add3A_76 = arith.addi %mul3A_74, %add3A_75 : i32
    "tpu.region"() ({
      %run_scoped3A = tpu.sem_alloc : memref<!tpu.dma_semaphore, #tpu.memory_space<semaphore_mem>>
      %dma_start3A = arith.constant 0 : i32
      %dma_start3A_177 = tpu.memref_slice %arg8[%add3A_76, %dma_start3A] : memref<40960x32xf32, #tpu.memory_space<vmem_shared>> -> memref<512x32xf32, #tpu.memory_space<vmem_shared>>
      %dma_start3A_178 = arith.constant 0 : i32
      %dma_start3A_179 = tpu.memref_slice %arg8[%add3A_76, %dma_start3A_178] : memref<40960x32xf32, #tpu.memory_space<vmem_shared>> -> memref<512x32xf32, #tpu.memory_space<vmem_shared>>
      tpu.enqueue_dma source(%arg18 : memref<512x32xf32, #tpu.memory_space<vmem>>) target(%dma_start3A_179 : memref<512x32xf32, #tpu.memory_space<vmem_shared>>) target_semaphore(%run_scoped3A : memref<!tpu.dma_semaphore, #tpu.memory_space<semaphore_mem>>)
      %dma_wait3A = arith.constant 0 : i32
      %dma_wait3A_180 = tpu.memref_slice %arg8[%add3A_76, %dma_wait3A] : memref<40960x32xf32, #tpu.memory_space<vmem_shared>> -> memref<512x32xf32, #tpu.memory_space<vmem_shared>>
      %dma_wait3A_181 = arith.constant 0 : i32
      %dma_wait3A_182 = tpu.memref_slice %arg8[%add3A_76, %dma_wait3A_181] : memref<40960x32xf32, #tpu.memory_space<vmem_shared>> -> memref<512x32xf32, #tpu.memory_space<vmem_shared>>
      tpu.wait_dma2 semaphore(%run_scoped3A : memref<!tpu.dma_semaphore, #tpu.memory_space<semaphore_mem>>) src(%arg18 : memref<512x32xf32, #tpu.memory_space<vmem>>) dst(%dma_wait3A_182 : memref<512x32xf32, #tpu.memory_space<vmem_shared>>)
      tpu.yield
    }) : () -> ()
    %mul3A_77 = arith.constant 2560 : i32
    %mul3A_78 = arith.muli %arg1, %mul3A_77 : i32
    %add3A_79 = arith.constant 1024 : i32
    %add3A_80 = arith.addi %mul3A_78, %add3A_79 : i32
    "tpu.region"() ({
      %run_scoped3A = tpu.sem_alloc : memref<!tpu.dma_semaphore, #tpu.memory_space<semaphore_mem>>
      %dma_start3A = arith.constant 0 : i32
      %dma_start3A_177 = tpu.memref_slice %arg8[%add3A_80, %dma_start3A] : memref<40960x32xf32, #tpu.memory_space<vmem_shared>> -> memref<512x32xf32, #tpu.memory_space<vmem_shared>>
      %dma_start3A_178 = arith.constant 0 : i32
      %dma_start3A_179 = tpu.memref_slice %arg8[%add3A_80, %dma_start3A_178] : memref<40960x32xf32, #tpu.memory_space<vmem_shared>> -> memref<512x32xf32, #tpu.memory_space<vmem_shared>>
      tpu.enqueue_dma source(%arg18 : memref<512x32xf32, #tpu.memory_space<vmem>>) target(%dma_start3A_179 : memref<512x32xf32, #tpu.memory_space<vmem_shared>>) target_semaphore(%run_scoped3A : memref<!tpu.dma_semaphore, #tpu.memory_space<semaphore_mem>>)
      %dma_wait3A = arith.constant 0 : i32
      %dma_wait3A_180 = tpu.memref_slice %arg8[%add3A_80, %dma_wait3A] : memref<40960x32xf32, #tpu.memory_space<vmem_shared>> -> memref<512x32xf32, #tpu.memory_space<vmem_shared>>
      %dma_wait3A_181 = arith.constant 0 : i32
      %dma_wait3A_182 = tpu.memref_slice %arg8[%add3A_80, %dma_wait3A_181] : memref<40960x32xf32, #tpu.memory_space<vmem_shared>> -> memref<512x32xf32, #tpu.memory_space<vmem_shared>>
      tpu.wait_dma2 semaphore(%run_scoped3A : memref<!tpu.dma_semaphore, #tpu.memory_space<semaphore_mem>>) src(%arg18 : memref<512x32xf32, #tpu.memory_space<vmem>>) dst(%dma_wait3A_182 : memref<512x32xf32, #tpu.memory_space<vmem_shared>>)
      tpu.yield
    }) : () -> ()
    %mul3A_81 = arith.constant 2560 : i32
    %mul3A_82 = arith.muli %arg1, %mul3A_81 : i32
    %add3A_83 = arith.constant 1536 : i32
    %add3A_84 = arith.addi %mul3A_82, %add3A_83 : i32
    "tpu.region"() ({
      %run_scoped3A = tpu.sem_alloc : memref<!tpu.dma_semaphore, #tpu.memory_space<semaphore_mem>>
      %dma_start3A = arith.constant 0 : i32
      %dma_start3A_177 = tpu.memref_slice %arg8[%add3A_84, %dma_start3A] : memref<40960x32xf32, #tpu.memory_space<vmem_shared>> -> memref<512x32xf32, #tpu.memory_space<vmem_shared>>
      %dma_start3A_178 = arith.constant 0 : i32
      %dma_start3A_179 = tpu.memref_slice %arg8[%add3A_84, %dma_start3A_178] : memref<40960x32xf32, #tpu.memory_space<vmem_shared>> -> memref<512x32xf32, #tpu.memory_space<vmem_shared>>
      tpu.enqueue_dma source(%arg18 : memref<512x32xf32, #tpu.memory_space<vmem>>) target(%dma_start3A_179 : memref<512x32xf32, #tpu.memory_space<vmem_shared>>) target_semaphore(%run_scoped3A : memref<!tpu.dma_semaphore, #tpu.memory_space<semaphore_mem>>)
      %dma_wait3A = arith.constant 0 : i32
      %dma_wait3A_180 = tpu.memref_slice %arg8[%add3A_84, %dma_wait3A] : memref<40960x32xf32, #tpu.memory_space<vmem_shared>> -> memref<512x32xf32, #tpu.memory_space<vmem_shared>>
      %dma_wait3A_181 = arith.constant 0 : i32
      %dma_wait3A_182 = tpu.memref_slice %arg8[%add3A_84, %dma_wait3A_181] : memref<40960x32xf32, #tpu.memory_space<vmem_shared>> -> memref<512x32xf32, #tpu.memory_space<vmem_shared>>
      tpu.wait_dma2 semaphore(%run_scoped3A : memref<!tpu.dma_semaphore, #tpu.memory_space<semaphore_mem>>) src(%arg18 : memref<512x32xf32, #tpu.memory_space<vmem>>) dst(%dma_wait3A_182 : memref<512x32xf32, #tpu.memory_space<vmem_shared>>)
      tpu.yield
    }) : () -> ()
    %mul3A_85 = arith.constant 2560 : i32
    %mul3A_86 = arith.muli %arg1, %mul3A_85 : i32
    %add3A_87 = arith.constant 2048 : i32
    %add3A_88 = arith.addi %mul3A_86, %add3A_87 : i32
    "tpu.region"() ({
      %run_scoped3A = tpu.sem_alloc : memref<!tpu.dma_semaphore, #tpu.memory_space<semaphore_mem>>
      %dma_start3A = arith.constant 0 : i32
      %dma_start3A_177 = tpu.memref_slice %arg8[%add3A_88, %dma_start3A] : memref<40960x32xf32, #tpu.memory_space<vmem_shared>> -> memref<512x32xf32, #tpu.memory_space<vmem_shared>>
      %dma_start3A_178 = arith.constant 0 : i32
      %dma_start3A_179 = tpu.memref_slice %arg8[%add3A_88, %dma_start3A_178] : memref<40960x32xf32, #tpu.memory_space<vmem_shared>> -> memref<512x32xf32, #tpu.memory_space<vmem_shared>>
      tpu.enqueue_dma source(%arg18 : memref<512x32xf32, #tpu.memory_space<vmem>>) target(%dma_start3A_179 : memref<512x32xf32, #tpu.memory_space<vmem_shared>>) target_semaphore(%run_scoped3A : memref<!tpu.dma_semaphore, #tpu.memory_space<semaphore_mem>>)
      %dma_wait3A = arith.constant 0 : i32
      %dma_wait3A_180 = tpu.memref_slice %arg8[%add3A_88, %dma_wait3A] : memref<40960x32xf32, #tpu.memory_space<vmem_shared>> -> memref<512x32xf32, #tpu.memory_space<vmem_shared>>
      %dma_wait3A_181 = arith.constant 0 : i32
      %dma_wait3A_182 = tpu.memref_slice %arg8[%add3A_88, %dma_wait3A_181] : memref<40960x32xf32, #tpu.memory_space<vmem_shared>> -> memref<512x32xf32, #tpu.memory_space<vmem_shared>>
      tpu.wait_dma2 semaphore(%run_scoped3A : memref<!tpu.dma_semaphore, #tpu.memory_space<semaphore_mem>>) src(%arg18 : memref<512x32xf32, #tpu.memory_space<vmem>>) dst(%dma_wait3A_182 : memref<512x32xf32, #tpu.memory_space<vmem_shared>>)
      tpu.yield
    }) : () -> ()
    %eq3A = arith.constant 0 : i32
    %eq3A_89 = arith.cmpi eq, %arg0, %eq3A : i32
    %convert_element_type3A = arith.extui %eq3A_89 : i1 to i32
    %cond3A = arith.constant 0 : i32
    %cond3A_90 = arith.cmpi ne, %convert_element_type3A, %cond3A : i32
    scf.if %cond3A_90 {
      %mul3A_177 = arith.constant 2560 : i32
      %mul3A_178 = arith.muli %arg1, %mul3A_177 : i32
      "tpu.region"() ({
        %run_scoped3A = tpu.sem_alloc : memref<!tpu.dma_semaphore, #tpu.memory_space<semaphore_mem>>
        %dma_start3A = tpu.memref_slice %arg9[%mul3A_178] : memref<40960xf32, #tpu.memory_space<vmem_shared>> -> memref<2560xf32, #tpu.memory_space<vmem_shared>>
        %dma_start3A_179 = tpu.memref_slice %arg9[%mul3A_178] : memref<40960xf32, #tpu.memory_space<vmem_shared>> -> memref<2560xf32, #tpu.memory_space<vmem_shared>>
        tpu.enqueue_dma source(%arg19 : memref<2560xf32, #tpu.memory_space<vmem>>) target(%dma_start3A_179 : memref<2560xf32, #tpu.memory_space<vmem_shared>>) target_semaphore(%run_scoped3A : memref<!tpu.dma_semaphore, #tpu.memory_space<semaphore_mem>>)
        %dma_wait3A = tpu.memref_slice %arg9[%mul3A_178] : memref<40960xf32, #tpu.memory_space<vmem_shared>> -> memref<2560xf32, #tpu.memory_space<vmem_shared>>
        %dma_wait3A_180 = tpu.memref_slice %arg9[%mul3A_178] : memref<40960xf32, #tpu.memory_space<vmem_shared>> -> memref<2560xf32, #tpu.memory_space<vmem_shared>>
        tpu.wait_dma2 semaphore(%run_scoped3A : memref<!tpu.dma_semaphore, #tpu.memory_space<semaphore_mem>>) src(%arg19 : memref<2560xf32, #tpu.memory_space<vmem>>) dst(%dma_wait3A_180 : memref<2560xf32, #tpu.memory_space<vmem_shared>>)
        tpu.yield
      }) : () -> ()
    } else {
    }
    %barrier3A = arith.constant 0 : index
    tpu.barrier barrier_id(%barrier3A)
    %scan3A_91 = arith.constant 0 : i32
    %scan3A_92 = arith.constant 0 : i32
    %scan3A_93 = arith.constant 157 : i32
    %scan3A_94 = arith.addi %scan3A_92, %scan3A_93 : i32
    %scan3A_95 = arith.constant 1 : i32
    scf.for %scan3A_177 = %scan3A_92 to %scan3A_94 step %scan3A_95  : i32 {
      %mul3A_178 = arith.constant 20096 : i32
      %mul3A_179 = arith.muli %arg1, %mul3A_178 : i32
      %mul3A_180 = arith.constant 128 : i32
      %mul3A_181 = arith.muli %scan3A_177, %mul3A_180 : i32
      %add3A_182 = arith.addi %mul3A_179, %mul3A_181 : i32
      "tpu.region"() ({
        %run_scoped3A = tpu.sem_alloc : memref<!tpu.dma_semaphore, #tpu.memory_space<semaphore_mem>>
        %dma_start3A_439 = tpu.memref_slice %arg3[%add3A_182] : memref<321536xi32, #tpu.memory_space<hbm>> -> memref<128xi32, #tpu.memory_space<hbm>>
        %dma_start3A_440 = tpu.memref_slice %arg3[%add3A_182] : memref<321536xi32, #tpu.memory_space<hbm>> -> memref<128xi32, #tpu.memory_space<hbm>>
        tpu.enqueue_dma source(%dma_start3A_440 : memref<128xi32, #tpu.memory_space<hbm>>) target(%arg10 : memref<128xi32, #tpu.memory_space<vmem>>) target_semaphore(%run_scoped3A : memref<!tpu.dma_semaphore, #tpu.memory_space<semaphore_mem>>)
        %dma_wait3A_441 = tpu.memref_slice %arg3[%add3A_182] : memref<321536xi32, #tpu.memory_space<hbm>> -> memref<128xi32, #tpu.memory_space<hbm>>
        %dma_wait3A_442 = tpu.memref_slice %arg3[%add3A_182] : memref<321536xi32, #tpu.memory_space<hbm>> -> memref<128xi32, #tpu.memory_space<hbm>>
        tpu.wait_dma2 semaphore(%run_scoped3A : memref<!tpu.dma_semaphore, #tpu.memory_space<semaphore_mem>>) src(%dma_wait3A_442 : memref<128xi32, #tpu.memory_space<hbm>>) dst(%arg10 : memref<128xi32, #tpu.memory_space<vmem>>)
        tpu.yield
      }) : () -> ()
      "tpu.region"() ({
        %run_scoped3A = tpu.sem_alloc : memref<!tpu.dma_semaphore, #tpu.memory_space<semaphore_mem>>
        %dma_start3A_439 = tpu.memref_slice %arg4[%add3A_182] : memref<321536xi32, #tpu.memory_space<hbm>> -> memref<128xi32, #tpu.memory_space<hbm>>
        %dma_start3A_440 = tpu.memref_slice %arg4[%add3A_182] : memref<321536xi32, #tpu.memory_space<hbm>> -> memref<128xi32, #tpu.memory_space<hbm>>
        tpu.enqueue_dma source(%dma_start3A_440 : memref<128xi32, #tpu.memory_space<hbm>>) target(%arg11 : memref<128xi32, #tpu.memory_space<vmem>>) target_semaphore(%run_scoped3A : memref<!tpu.dma_semaphore, #tpu.memory_space<semaphore_mem>>)
        %dma_wait3A_441 = tpu.memref_slice %arg4[%add3A_182] : memref<321536xi32, #tpu.memory_space<hbm>> -> memref<128xi32, #tpu.memory_space<hbm>>
        %dma_wait3A_442 = tpu.memref_slice %arg4[%add3A_182] : memref<321536xi32, #tpu.memory_space<hbm>> -> memref<128xi32, #tpu.memory_space<hbm>>
        tpu.wait_dma2 semaphore(%run_scoped3A : memref<!tpu.dma_semaphore, #tpu.memory_space<semaphore_mem>>) src(%dma_wait3A_442 : memref<128xi32, #tpu.memory_space<hbm>>) dst(%arg11 : memref<128xi32, #tpu.memory_space<vmem>>)
        tpu.yield
      }) : () -> ()
      "tpu.region"() ({
        %run_scoped3A = tpu.sem_alloc : memref<!tpu.dma_semaphore, #tpu.memory_space<semaphore_mem>>
        %dma_start3A_439 = tpu.memref_slice %arg5[%add3A_182] : memref<321536xi32, #tpu.memory_space<hbm>> -> memref<128xi32, #tpu.memory_space<hbm>>
        %dma_start3A_440 = tpu.memref_slice %arg5[%add3A_182] : memref<321536xi32, #tpu.memory_space<hbm>> -> memref<128xi32, #tpu.memory_space<hbm>>
        tpu.enqueue_dma source(%dma_start3A_440 : memref<128xi32, #tpu.memory_space<hbm>>) target(%arg12 : memref<128xi32, #tpu.memory_space<vmem>>) target_semaphore(%run_scoped3A : memref<!tpu.dma_semaphore, #tpu.memory_space<semaphore_mem>>)
        %dma_wait3A_441 = tpu.memref_slice %arg5[%add3A_182] : memref<321536xi32, #tpu.memory_space<hbm>> -> memref<128xi32, #tpu.memory_space<hbm>>
        %dma_wait3A_442 = tpu.memref_slice %arg5[%add3A_182] : memref<321536xi32, #tpu.memory_space<hbm>> -> memref<128xi32, #tpu.memory_space<hbm>>
        tpu.wait_dma2 semaphore(%run_scoped3A : memref<!tpu.dma_semaphore, #tpu.memory_space<semaphore_mem>>) src(%dma_wait3A_442 : memref<128xi32, #tpu.memory_space<hbm>>) dst(%arg12 : memref<128xi32, #tpu.memory_space<vmem>>)
        tpu.yield
      }) : () -> ()
      %get3A = arith.constant 0 : index
      %get3A_183 = tpu.vector_load %arg10[%get3A] {strides = array<i32>} : memref<128xi32, #tpu.memory_space<vmem>>, vector<16xi32>,
      %get3A_184 = vector.shape_cast %get3A_183 : vector<16xi32> to vector<16xi32>
      %get3A_185 = arith.constant 0 : index
      %get3A_186 = tpu.vector_load %arg11[%get3A_185] {strides = array<i32>} : memref<128xi32, #tpu.memory_space<vmem>>, vector<16xi32>,
      %get3A_187 = vector.shape_cast %get3A_186 : vector<16xi32> to vector<16xi32>
      %get3A_188 = arith.constant 0 : index
      %get3A_189 = tpu.vector_load %arg12[%get3A_188] {strides = array<i32>} : memref<128xi32, #tpu.memory_space<vmem>>, vector<16xi32>,
      %get3A_190 = vector.shape_cast %get3A_189 : vector<16xi32> to vector<16xi32>
      %add3A_191 = vector.broadcast %mul3A_68 : i32 to vector<16xi32>
      %add3A_192 = arith.addi %get3A_184, %add3A_191 : vector<16xi32>
      %swap3A_193 = arith.constant 0 : index
      %swap3A_194 = tpu.vector_load %arg13[%swap3A_193] {strides = array<i32>} : memref<128xi32, #tpu.memory_space<vmem>>, vector<16xi32>,
      %swap3A_195 = vector.shape_cast %swap3A_194 : vector<16xi32> to vector<16xi32>
      %swap3A_196 = vector.shape_cast %add3A_192 : vector<16xi32> to vector<16xi32>
      tpu.vector_store %arg13[%swap3A_193], %swap3A_196 {strides = array<i32>} : memref<128xi32, #tpu.memory_space<vmem>>, vector<16xi32>,
      %mul3A_197 = arith.constant 10240 : i32
      %mul3A_198 = vector.broadcast %mul3A_197 : i32 to vector<16xi32>
      %mul3A_199 = arith.muli %get3A_190, %mul3A_198 : vector<16xi32>
      %add3A_200 = arith.addi %mul3A_199, %get3A_187 : vector<16xi32>
      %swap3A_201 = arith.constant 0 : index
      %swap3A_202 = tpu.vector_load %arg14[%swap3A_201] {strides = array<i32>} : memref<128xi32, #tpu.memory_space<vmem>>, vector<16xi32>,
      %swap3A_203 = vector.shape_cast %swap3A_202 : vector<16xi32> to vector<16xi32>
      %swap3A_204 = vector.shape_cast %add3A_200 : vector<16xi32> to vector<16xi32>
      tpu.vector_store %arg14[%swap3A_201], %swap3A_204 {strides = array<i32>} : memref<128xi32, #tpu.memory_space<vmem>>, vector<16xi32>,
      %mul3A_205 = arith.constant 4 : i32
      %mul3A_206 = vector.broadcast %mul3A_205 : i32 to vector<16xi32>
      %mul3A_207 = arith.muli %get3A_187, %mul3A_206 : vector<16xi32>
      %add3A_208 = arith.addi %mul3A_207, %get3A_190 : vector<16xi32>
      %swap3A_209 = arith.constant 0 : index
      %swap3A_210 = tpu.vector_load %arg15[%swap3A_209] {strides = array<i32>} : memref<128xi32, #tpu.memory_space<vmem>>, vector<16xi32>,
      %swap3A_211 = vector.shape_cast %swap3A_210 : vector<16xi32> to vector<16xi32>
      %swap3A_212 = vector.shape_cast %add3A_208 : vector<16xi32> to vector<16xi32>
      tpu.vector_store %arg15[%swap3A_209], %swap3A_212 {strides = array<i32>} : memref<128xi32, #tpu.memory_space<vmem>>, vector<16xi32>,
      %get3A_213 = arith.constant 16 : index
      %get3A_214 = tpu.vector_load %arg10[%get3A_213] {strides = array<i32>} : memref<128xi32, #tpu.memory_space<vmem>>, vector<16xi32>,
      %get3A_215 = vector.shape_cast %get3A_214 : vector<16xi32> to vector<16xi32>
      %get3A_216 = arith.constant 16 : index
      %get3A_217 = tpu.vector_load %arg11[%get3A_216] {strides = array<i32>} : memref<128xi32, #tpu.memory_space<vmem>>, vector<16xi32>,
      %get3A_218 = vector.shape_cast %get3A_217 : vector<16xi32> to vector<16xi32>
      %get3A_219 = arith.constant 16 : index
      %get3A_220 = tpu.vector_load %arg12[%get3A_219] {strides = array<i32>} : memref<128xi32, #tpu.memory_space<vmem>>, vector<16xi32>,
      %get3A_221 = vector.shape_cast %get3A_220 : vector<16xi32> to vector<16xi32>
      %add3A_222 = vector.broadcast %mul3A_68 : i32 to vector<16xi32>
      %add3A_223 = arith.addi %get3A_215, %add3A_222 : vector<16xi32>
      %swap3A_224 = arith.constant 16 : index
      %swap3A_225 = tpu.vector_load %arg13[%swap3A_224] {strides = array<i32>} : memref<128xi32, #tpu.memory_space<vmem>>, vector<16xi32>,
      %swap3A_226 = vector.shape_cast %swap3A_225 : vector<16xi32> to vector<16xi32>
      %swap3A_227 = vector.shape_cast %add3A_223 : vector<16xi32> to vector<16xi32>
      tpu.vector_store %arg13[%swap3A_224], %swap3A_227 {strides = array<i32>} : memref<128xi32, #tpu.memory_space<vmem>>, vector<16xi32>,
      %mul3A_228 = arith.constant 10240 : i32
      %mul3A_229 = vector.broadcast %mul3A_228 : i32 to vector<16xi32>
      %mul3A_230 = arith.muli %get3A_221, %mul3A_229 : vector<16xi32>
      %add3A_231 = arith.addi %mul3A_230, %get3A_218 : vector<16xi32>
      %swap3A_232 = arith.constant 16 : index
      %swap3A_233 = tpu.vector_load %arg14[%swap3A_232] {strides = array<i32>} : memref<128xi32, #tpu.memory_space<vmem>>, vector<16xi32>,
      %swap3A_234 = vector.shape_cast %swap3A_233 : vector<16xi32> to vector<16xi32>
      %swap3A_235 = vector.shape_cast %add3A_231 : vector<16xi32> to vector<16xi32>
      tpu.vector_store %arg14[%swap3A_232], %swap3A_235 {strides = array<i32>} : memref<128xi32, #tpu.memory_space<vmem>>, vector<16xi32>,
      %mul3A_236 = arith.constant 4 : i32
      %mul3A_237 = vector.broadcast %mul3A_236 : i32 to vector<16xi32>
      %mul3A_238 = arith.muli %get3A_218, %mul3A_237 : vector<16xi32>
      %add3A_239 = arith.addi %mul3A_238, %get3A_221 : vector<16xi32>
      %swap3A_240 = arith.constant 16 : index
      %swap3A_241 = tpu.vector_load %arg15[%swap3A_240] {strides = array<i32>} : memref<128xi32, #tpu.memory_space<vmem>>, vector<16xi32>,
      %swap3A_242 = vector.shape_cast %swap3A_241 : vector<16xi32> to vector<16xi32>
      %swap3A_243 = vector.shape_cast %add3A_239 : vector<16xi32> to vector<16xi32>
      tpu.vector_store %arg15[%swap3A_240], %swap3A_243 {strides = array<i32>} : memref<128xi32, #tpu.memory_space<vmem>>, vector<16xi32>,
      %get3A_244 = arith.constant 32 : index
      %get3A_245 = tpu.vector_load %arg10[%get3A_244] {strides = array<i32>} : memref<128xi32, #tpu.memory_space<vmem>>, vector<16xi32>,
      %get3A_246 = vector.shape_cast %get3A_245 : vector<16xi32> to vector<16xi32>
      %get3A_247 = arith.constant 32 : index
      %get3A_248 = tpu.vector_load %arg11[%get3A_247] {strides = array<i32>} : memref<128xi32, #tpu.memory_space<vmem>>, vector<16xi32>,
      %get3A_249 = vector.shape_cast %get3A_248 : vector<16xi32> to vector<16xi32>
      %get3A_250 = arith.constant 32 : index
      %get3A_251 = tpu.vector_load %arg12[%get3A_250] {strides = array<i32>} : memref<128xi32, #tpu.memory_space<vmem>>, vector<16xi32>,
      %get3A_252 = vector.shape_cast %get3A_251 : vector<16xi32> to vector<16xi32>
      %add3A_253 = vector.broadcast %mul3A_68 : i32 to vector<16xi32>
      %add3A_254 = arith.addi %get3A_246, %add3A_253 : vector<16xi32>
      %swap3A_255 = arith.constant 32 : index
      %swap3A_256 = tpu.vector_load %arg13[%swap3A_255] {strides = array<i32>} : memref<128xi32, #tpu.memory_space<vmem>>, vector<16xi32>,
      %swap3A_257 = vector.shape_cast %swap3A_256 : vector<16xi32> to vector<16xi32>
      %swap3A_258 = vector.shape_cast %add3A_254 : vector<16xi32> to vector<16xi32>
      tpu.vector_store %arg13[%swap3A_255], %swap3A_258 {strides = array<i32>} : memref<128xi32, #tpu.memory_space<vmem>>, vector<16xi32>,
      %mul3A_259 = arith.constant 10240 : i32
      %mul3A_260 = vector.broadcast %mul3A_259 : i32 to vector<16xi32>
      %mul3A_261 = arith.muli %get3A_252, %mul3A_260 : vector<16xi32>
      %add3A_262 = arith.addi %mul3A_261, %get3A_249 : vector<16xi32>
      %swap3A_263 = arith.constant 32 : index
      %swap3A_264 = tpu.vector_load %arg14[%swap3A_263] {strides = array<i32>} : memref<128xi32, #tpu.memory_space<vmem>>, vector<16xi32>,
      %swap3A_265 = vector.shape_cast %swap3A_264 : vector<16xi32> to vector<16xi32>
      %swap3A_266 = vector.shape_cast %add3A_262 : vector<16xi32> to vector<16xi32>
      tpu.vector_store %arg14[%swap3A_263], %swap3A_266 {strides = array<i32>} : memref<128xi32, #tpu.memory_space<vmem>>, vector<16xi32>,
      %mul3A_267 = arith.constant 4 : i32
      %mul3A_268 = vector.broadcast %mul3A_267 : i32 to vector<16xi32>
      %mul3A_269 = arith.muli %get3A_249, %mul3A_268 : vector<16xi32>
      %add3A_270 = arith.addi %mul3A_269, %get3A_252 : vector<16xi32>
      %swap3A_271 = arith.constant 32 : index
      %swap3A_272 = tpu.vector_load %arg15[%swap3A_271] {strides = array<i32>} : memref<128xi32, #tpu.memory_space<vmem>>, vector<16xi32>,
      %swap3A_273 = vector.shape_cast %swap3A_272 : vector<16xi32> to vector<16xi32>
      %swap3A_274 = vector.shape_cast %add3A_270 : vector<16xi32> to vector<16xi32>
      tpu.vector_store %arg15[%swap3A_271], %swap3A_274 {strides = array<i32>} : memref<128xi32, #tpu.memory_space<vmem>>, vector<16xi32>,
      %get3A_275 = arith.constant 48 : index
      %get3A_276 = tpu.vector_load %arg10[%get3A_275] {strides = array<i32>} : memref<128xi32, #tpu.memory_space<vmem>>, vector<16xi32>,
      %get3A_277 = vector.shape_cast %get3A_276 : vector<16xi32> to vector<16xi32>
      %get3A_278 = arith.constant 48 : index
      %get3A_279 = tpu.vector_load %arg11[%get3A_278] {strides = array<i32>} : memref<128xi32, #tpu.memory_space<vmem>>, vector<16xi32>,
      %get3A_280 = vector.shape_cast %get3A_279 : vector<16xi32> to vector<16xi32>
      %get3A_281 = arith.constant 48 : index
      %get3A_282 = tpu.vector_load %arg12[%get3A_281] {strides = array<i32>} : memref<128xi32, #tpu.memory_space<vmem>>, vector<16xi32>,
      %get3A_283 = vector.shape_cast %get3A_282 : vector<16xi32> to vector<16xi32>
      %add3A_284 = vector.broadcast %mul3A_68 : i32 to vector<16xi32>
      %add3A_285 = arith.addi %get3A_277, %add3A_284 : vector<16xi32>
      %swap3A_286 = arith.constant 48 : index
      %swap3A_287 = tpu.vector_load %arg13[%swap3A_286] {strides = array<i32>} : memref<128xi32, #tpu.memory_space<vmem>>, vector<16xi32>,
      %swap3A_288 = vector.shape_cast %swap3A_287 : vector<16xi32> to vector<16xi32>
      %swap3A_289 = vector.shape_cast %add3A_285 : vector<16xi32> to vector<16xi32>
      tpu.vector_store %arg13[%swap3A_286], %swap3A_289 {strides = array<i32>} : memref<128xi32, #tpu.memory_space<vmem>>, vector<16xi32>,
      %mul3A_290 = arith.constant 10240 : i32
      %mul3A_291 = vector.broadcast %mul3A_290 : i32 to vector<16xi32>
      %mul3A_292 = arith.muli %get3A_283, %mul3A_291 : vector<16xi32>
      %add3A_293 = arith.addi %mul3A_292, %get3A_280 : vector<16xi32>
      %swap3A_294 = arith.constant 48 : index
      %swap3A_295 = tpu.vector_load %arg14[%swap3A_294] {strides = array<i32>} : memref<128xi32, #tpu.memory_space<vmem>>, vector<16xi32>,
      %swap3A_296 = vector.shape_cast %swap3A_295 : vector<16xi32> to vector<16xi32>
      %swap3A_297 = vector.shape_cast %add3A_293 : vector<16xi32> to vector<16xi32>
      tpu.vector_store %arg14[%swap3A_294], %swap3A_297 {strides = array<i32>} : memref<128xi32, #tpu.memory_space<vmem>>, vector<16xi32>,
      %mul3A_298 = arith.constant 4 : i32
      %mul3A_299 = vector.broadcast %mul3A_298 : i32 to vector<16xi32>
      %mul3A_300 = arith.muli %get3A_280, %mul3A_299 : vector<16xi32>
      %add3A_301 = arith.addi %mul3A_300, %get3A_283 : vector<16xi32>
      %swap3A_302 = arith.constant 48 : index
      %swap3A_303 = tpu.vector_load %arg15[%swap3A_302] {strides = array<i32>} : memref<128xi32, #tpu.memory_space<vmem>>, vector<16xi32>,
      %swap3A_304 = vector.shape_cast %swap3A_303 : vector<16xi32> to vector<16xi32>
      %swap3A_305 = vector.shape_cast %add3A_301 : vector<16xi32> to vector<16xi32>
      tpu.vector_store %arg15[%swap3A_302], %swap3A_305 {strides = array<i32>} : memref<128xi32, #tpu.memory_space<vmem>>, vector<16xi32>,
      %get3A_306 = arith.constant 64 : index
      %get3A_307 = tpu.vector_load %arg10[%get3A_306] {strides = array<i32>} : memref<128xi32, #tpu.memory_space<vmem>>, vector<16xi32>,
      %get3A_308 = vector.shape_cast %get3A_307 : vector<16xi32> to vector<16xi32>
      %get3A_309 = arith.constant 64 : index
      %get3A_310 = tpu.vector_load %arg11[%get3A_309] {strides = array<i32>} : memref<128xi32, #tpu.memory_space<vmem>>, vector<16xi32>,
      %get3A_311 = vector.shape_cast %get3A_310 : vector<16xi32> to vector<16xi32>
      %get3A_312 = arith.constant 64 : index
      %get3A_313 = tpu.vector_load %arg12[%get3A_312] {strides = array<i32>} : memref<128xi32, #tpu.memory_space<vmem>>, vector<16xi32>,
      %get3A_314 = vector.shape_cast %get3A_313 : vector<16xi32> to vector<16xi32>
      %add3A_315 = vector.broadcast %mul3A_68 : i32 to vector<16xi32>
      %add3A_316 = arith.addi %get3A_308, %add3A_315 : vector<16xi32>
      %swap3A_317 = arith.constant 64 : index
      %swap3A_318 = tpu.vector_load %arg13[%swap3A_317] {strides = array<i32>} : memref<128xi32, #tpu.memory_space<vmem>>, vector<16xi32>,
      %swap3A_319 = vector.shape_cast %swap3A_318 : vector<16xi32> to vector<16xi32>
      %swap3A_320 = vector.shape_cast %add3A_316 : vector<16xi32> to vector<16xi32>
      tpu.vector_store %arg13[%swap3A_317], %swap3A_320 {strides = array<i32>} : memref<128xi32, #tpu.memory_space<vmem>>, vector<16xi32>,
      %mul3A_321 = arith.constant 10240 : i32
      %mul3A_322 = vector.broadcast %mul3A_321 : i32 to vector<16xi32>
      %mul3A_323 = arith.muli %get3A_314, %mul3A_322 : vector<16xi32>
      %add3A_324 = arith.addi %mul3A_323, %get3A_311 : vector<16xi32>
      %swap3A_325 = arith.constant 64 : index
      %swap3A_326 = tpu.vector_load %arg14[%swap3A_325] {strides = array<i32>} : memref<128xi32, #tpu.memory_space<vmem>>, vector<16xi32>,
      %swap3A_327 = vector.shape_cast %swap3A_326 : vector<16xi32> to vector<16xi32>
      %swap3A_328 = vector.shape_cast %add3A_324 : vector<16xi32> to vector<16xi32>
      tpu.vector_store %arg14[%swap3A_325], %swap3A_328 {strides = array<i32>} : memref<128xi32, #tpu.memory_space<vmem>>, vector<16xi32>,
      %mul3A_329 = arith.constant 4 : i32
      %mul3A_330 = vector.broadcast %mul3A_329 : i32 to vector<16xi32>
      %mul3A_331 = arith.muli %get3A_311, %mul3A_330 : vector<16xi32>
      %add3A_332 = arith.addi %mul3A_331, %get3A_314 : vector<16xi32>
      %swap3A_333 = arith.constant 64 : index
      %swap3A_334 = tpu.vector_load %arg15[%swap3A_333] {strides = array<i32>} : memref<128xi32, #tpu.memory_space<vmem>>, vector<16xi32>,
      %swap3A_335 = vector.shape_cast %swap3A_334 : vector<16xi32> to vector<16xi32>
      %swap3A_336 = vector.shape_cast %add3A_332 : vector<16xi32> to vector<16xi32>
      tpu.vector_store %arg15[%swap3A_333], %swap3A_336 {strides = array<i32>} : memref<128xi32, #tpu.memory_space<vmem>>, vector<16xi32>,
      %get3A_337 = arith.constant 80 : index
      %get3A_338 = tpu.vector_load %arg10[%get3A_337] {strides = array<i32>} : memref<128xi32, #tpu.memory_space<vmem>>, vector<16xi32>,
      %get3A_339 = vector.shape_cast %get3A_338 : vector<16xi32> to vector<16xi32>
      %get3A_340 = arith.constant 80 : index
      %get3A_341 = tpu.vector_load %arg11[%get3A_340] {strides = array<i32>} : memref<128xi32, #tpu.memory_space<vmem>>, vector<16xi32>,
      %get3A_342 = vector.shape_cast %get3A_341 : vector<16xi32> to vector<16xi32>
      %get3A_343 = arith.constant 80 : index
      %get3A_344 = tpu.vector_load %arg12[%get3A_343] {strides = array<i32>} : memref<128xi32, #tpu.memory_space<vmem>>, vector<16xi32>,
      %get3A_345 = vector.shape_cast %get3A_344 : vector<16xi32> to vector<16xi32>
      %add3A_346 = vector.broadcast %mul3A_68 : i32 to vector<16xi32>
      %add3A_347 = arith.addi %get3A_339, %add3A_346 : vector<16xi32>
      %swap3A_348 = arith.constant 80 : index
      %swap3A_349 = tpu.vector_load %arg13[%swap3A_348] {strides = array<i32>} : memref<128xi32, #tpu.memory_space<vmem>>, vector<16xi32>,
      %swap3A_350 = vector.shape_cast %swap3A_349 : vector<16xi32> to vector<16xi32>
      %swap3A_351 = vector.shape_cast %add3A_347 : vector<16xi32> to vector<16xi32>
      tpu.vector_store %arg13[%swap3A_348], %swap3A_351 {strides = array<i32>} : memref<128xi32, #tpu.memory_space<vmem>>, vector<16xi32>,
      %mul3A_352 = arith.constant 10240 : i32
      %mul3A_353 = vector.broadcast %mul3A_352 : i32 to vector<16xi32>
      %mul3A_354 = arith.muli %get3A_345, %mul3A_353 : vector<16xi32>
      %add3A_355 = arith.addi %mul3A_354, %get3A_342 : vector<16xi32>
      %swap3A_356 = arith.constant 80 : index
      %swap3A_357 = tpu.vector_load %arg14[%swap3A_356] {strides = array<i32>} : memref<128xi32, #tpu.memory_space<vmem>>, vector<16xi32>,
      %swap3A_358 = vector.shape_cast %swap3A_357 : vector<16xi32> to vector<16xi32>
      %swap3A_359 = vector.shape_cast %add3A_355 : vector<16xi32> to vector<16xi32>
      tpu.vector_store %arg14[%swap3A_356], %swap3A_359 {strides = array<i32>} : memref<128xi32, #tpu.memory_space<vmem>>, vector<16xi32>,
      %mul3A_360 = arith.constant 4 : i32
      %mul3A_361 = vector.broadcast %mul3A_360 : i32 to vector<16xi32>
      %mul3A_362 = arith.muli %get3A_342, %mul3A_361 : vector<16xi32>
      %add3A_363 = arith.addi %mul3A_362, %get3A_345 : vector<16xi32>
      %swap3A_364 = arith.constant 80 : index
      %swap3A_365 = tpu.vector_load %arg15[%swap3A_364] {strides = array<i32>} : memref<128xi32, #tpu.memory_space<vmem>>, vector<16xi32>,
      %swap3A_366 = vector.shape_cast %swap3A_365 : vector<16xi32> to vector<16xi32>
      %swap3A_367 = vector.shape_cast %add3A_363 : vector<16xi32> to vector<16xi32>
      tpu.vector_store %arg15[%swap3A_364], %swap3A_367 {strides = array<i32>} : memref<128xi32, #tpu.memory_space<vmem>>, vector<16xi32>,
      %get3A_368 = arith.constant 96 : index
      %get3A_369 = tpu.vector_load %arg10[%get3A_368] {strides = array<i32>} : memref<128xi32, #tpu.memory_space<vmem>>, vector<16xi32>,
      %get3A_370 = vector.shape_cast %get3A_369 : vector<16xi32> to vector<16xi32>
      %get3A_371 = arith.constant 96 : index
      %get3A_372 = tpu.vector_load %arg11[%get3A_371] {strides = array<i32>} : memref<128xi32, #tpu.memory_space<vmem>>, vector<16xi32>,
      %get3A_373 = vector.shape_cast %get3A_372 : vector<16xi32> to vector<16xi32>
      %get3A_374 = arith.constant 96 : index
      %get3A_375 = tpu.vector_load %arg12[%get3A_374] {strides = array<i32>} : memref<128xi32, #tpu.memory_space<vmem>>, vector<16xi32>,
      %get3A_376 = vector.shape_cast %get3A_375 : vector<16xi32> to vector<16xi32>
      %add3A_377 = vector.broadcast %mul3A_68 : i32 to vector<16xi32>
      %add3A_378 = arith.addi %get3A_370, %add3A_377 : vector<16xi32>
      %swap3A_379 = arith.constant 96 : index
      %swap3A_380 = tpu.vector_load %arg13[%swap3A_379] {strides = array<i32>} : memref<128xi32, #tpu.memory_space<vmem>>, vector<16xi32>,
      %swap3A_381 = vector.shape_cast %swap3A_380 : vector<16xi32> to vector<16xi32>
      %swap3A_382 = vector.shape_cast %add3A_378 : vector<16xi32> to vector<16xi32>
      tpu.vector_store %arg13[%swap3A_379], %swap3A_382 {strides = array<i32>} : memref<128xi32, #tpu.memory_space<vmem>>, vector<16xi32>,
      %mul3A_383 = arith.constant 10240 : i32
      %mul3A_384 = vector.broadcast %mul3A_383 : i32 to vector<16xi32>
      %mul3A_385 = arith.muli %get3A_376, %mul3A_384 : vector<16xi32>
      %add3A_386 = arith.addi %mul3A_385, %get3A_373 : vector<16xi32>
      %swap3A_387 = arith.constant 96 : index
      %swap3A_388 = tpu.vector_load %arg14[%swap3A_387] {strides = array<i32>} : memref<128xi32, #tpu.memory_space<vmem>>, vector<16xi32>,
      %swap3A_389 = vector.shape_cast %swap3A_388 : vector<16xi32> to vector<16xi32>
      %swap3A_390 = vector.shape_cast %add3A_386 : vector<16xi32> to vector<16xi32>
      tpu.vector_store %arg14[%swap3A_387], %swap3A_390 {strides = array<i32>} : memref<128xi32, #tpu.memory_space<vmem>>, vector<16xi32>,
      %mul3A_391 = arith.constant 4 : i32
      %mul3A_392 = vector.broadcast %mul3A_391 : i32 to vector<16xi32>
      %mul3A_393 = arith.muli %get3A_373, %mul3A_392 : vector<16xi32>
      %add3A_394 = arith.addi %mul3A_393, %get3A_376 : vector<16xi32>
      %swap3A_395 = arith.constant 96 : index
      %swap3A_396 = tpu.vector_load %arg15[%swap3A_395] {strides = array<i32>} : memref<128xi32, #tpu.memory_space<vmem>>, vector<16xi32>,
      %swap3A_397 = vector.shape_cast %swap3A_396 : vector<16xi32> to vector<16xi32>
      %swap3A_398 = vector.shape_cast %add3A_394 : vector<16xi32> to vector<16xi32>
      tpu.vector_store %arg15[%swap3A_395], %swap3A_398 {strides = array<i32>} : memref<128xi32, #tpu.memory_space<vmem>>, vector<16xi32>,
      %get3A_399 = arith.constant 112 : index
      %get3A_400 = tpu.vector_load %arg10[%get3A_399] {strides = array<i32>} : memref<128xi32, #tpu.memory_space<vmem>>, vector<16xi32>,
      %get3A_401 = vector.shape_cast %get3A_400 : vector<16xi32> to vector<16xi32>
      %get3A_402 = arith.constant 112 : index
      %get3A_403 = tpu.vector_load %arg11[%get3A_402] {strides = array<i32>} : memref<128xi32, #tpu.memory_space<vmem>>, vector<16xi32>,
      %get3A_404 = vector.shape_cast %get3A_403 : vector<16xi32> to vector<16xi32>
      %get3A_405 = arith.constant 112 : index
      %get3A_406 = tpu.vector_load %arg12[%get3A_405] {strides = array<i32>} : memref<128xi32, #tpu.memory_space<vmem>>, vector<16xi32>,
      %get3A_407 = vector.shape_cast %get3A_406 : vector<16xi32> to vector<16xi32>
      %add3A_408 = vector.broadcast %mul3A_68 : i32 to vector<16xi32>
      %add3A_409 = arith.addi %get3A_401, %add3A_408 : vector<16xi32>
      %swap3A_410 = arith.constant 112 : index
      %swap3A_411 = tpu.vector_load %arg13[%swap3A_410] {strides = array<i32>} : memref<128xi32, #tpu.memory_space<vmem>>, vector<16xi32>,
      %swap3A_412 = vector.shape_cast %swap3A_411 : vector<16xi32> to vector<16xi32>
      %swap3A_413 = vector.shape_cast %add3A_409 : vector<16xi32> to vector<16xi32>
      tpu.vector_store %arg13[%swap3A_410], %swap3A_413 {strides = array<i32>} : memref<128xi32, #tpu.memory_space<vmem>>, vector<16xi32>,
      %mul3A_414 = arith.constant 10240 : i32
      %mul3A_415 = vector.broadcast %mul3A_414 : i32 to vector<16xi32>
      %mul3A_416 = arith.muli %get3A_407, %mul3A_415 : vector<16xi32>
      %add3A_417 = arith.addi %mul3A_416, %get3A_404 : vector<16xi32>
      %swap3A_418 = arith.constant 112 : index
      %swap3A_419 = tpu.vector_load %arg14[%swap3A_418] {strides = array<i32>} : memref<128xi32, #tpu.memory_space<vmem>>, vector<16xi32>,
      %swap3A_420 = vector.shape_cast %swap3A_419 : vector<16xi32> to vector<16xi32>
      %swap3A_421 = vector.shape_cast %add3A_417 : vector<16xi32> to vector<16xi32>
      tpu.vector_store %arg14[%swap3A_418], %swap3A_421 {strides = array<i32>} : memref<128xi32, #tpu.memory_space<vmem>>, vector<16xi32>,
      %mul3A_422 = arith.constant 4 : i32
      %mul3A_423 = vector.broadcast %mul3A_422 : i32 to vector<16xi32>
      %mul3A_424 = arith.muli %get3A_404, %mul3A_423 : vector<16xi32>
      %add3A_425 = arith.addi %mul3A_424, %get3A_407 : vector<16xi32>
      %swap3A_426 = arith.constant 112 : index
      %swap3A_427 = tpu.vector_load %arg15[%swap3A_426] {strides = array<i32>} : memref<128xi32, #tpu.memory_space<vmem>>, vector<16xi32>,
      %swap3A_428 = vector.shape_cast %swap3A_427 : vector<16xi32> to vector<16xi32>
      %swap3A_429 = vector.shape_cast %add3A_425 : vector<16xi32> to vector<16xi32>
      tpu.vector_store %arg15[%swap3A_426], %swap3A_429 {strides = array<i32>} : memref<128xi32, #tpu.memory_space<vmem>>, vector<16xi32>,
      %dma_start3A = arith.constant 0 : i32
      %dma_start3A_430 = arith.constant 0 : i32
      %dma_start3A_431 = tpu.memref_slice %arg2[%dma_start3A, %dma_start3A_430] : memref<40960x32xf32, #tpu.memory_space<hbm>> -> memref<40960x32xf32, #tpu.memory_space<hbm>>
      tpu.enqueue_indirect_dma source(%dma_start3A_431 : memref<40960x32xf32, #tpu.memory_space<hbm>>) target(%arg16 : memref<128x32xf32, #tpu.memory_space<vmem>>) offsets(%arg13 : memref<128xi32, #tpu.memory_space<vmem>>) semaphore(%arg22 : memref<!tpu.dma_semaphore, #tpu.memory_space<semaphore_mem>>)
      %dma_wait3A = arith.constant 0 : i32
      %dma_wait3A_432 = arith.constant 0 : i32
      %dma_wait3A_433 = tpu.memref_slice %arg2[%dma_wait3A, %dma_wait3A_432] : memref<40960x32xf32, #tpu.memory_space<hbm>> -> memref<40960x32xf32, #tpu.memory_space<hbm>>
      tpu.wait_indirect_dma semaphore(%arg22 : memref<!tpu.dma_semaphore, #tpu.memory_space<semaphore_mem>>) src(%dma_wait3A_433 : memref<40960x32xf32, #tpu.memory_space<hbm>>) dst(%arg16 : memref<128x32xf32, #tpu.memory_space<vmem>>)
      "tpu.region"() ({
        %run_scoped3A = tpu.sem_alloc : memref<!tpu.dma_semaphore, #tpu.memory_space<semaphore_mem>>
        %dma_start3A_439 = arith.constant 0 : i32
        %dma_start3A_440 = arith.constant 0 : i32
        %dma_start3A_441 = tpu.memref_slice %arg8[%dma_start3A_439, %dma_start3A_440] : memref<40960x32xf32, #tpu.memory_space<vmem_shared>> -> memref<40960x32xf32, #tpu.memory_space<vmem_shared>>
        tpu.enqueue_indirect_dma source(%arg16 : memref<128x32xf32, #tpu.memory_space<vmem>>) target(%dma_start3A_441 : memref<40960x32xf32, #tpu.memory_space<vmem_shared>>) offsets(%arg14 : memref<128xi32, #tpu.memory_space<vmem>>) semaphore(%run_scoped3A : memref<!tpu.dma_semaphore, #tpu.memory_space<semaphore_mem>>) {add = true}
        %dma_wait3A_442 = arith.constant 0 : i32
        %dma_wait3A_443 = arith.constant 0 : i32
        %dma_wait3A_444 = tpu.memref_slice %arg8[%dma_wait3A_442, %dma_wait3A_443] : memref<40960x32xf32, #tpu.memory_space<vmem_shared>> -> memref<40960x32xf32, #tpu.memory_space<vmem_shared>>
        tpu.wait_indirect_dma semaphore(%run_scoped3A : memref<!tpu.dma_semaphore, #tpu.memory_space<semaphore_mem>>) src(%arg16 : memref<128x32xf32, #tpu.memory_space<vmem>>) dst(%dma_wait3A_444 : memref<40960x32xf32, #tpu.memory_space<vmem_shared>>)
        tpu.yield
      }) : () -> ()
      %eq3A_434 = arith.constant 0 : i32
      %eq3A_435 = arith.cmpi eq, %arg0, %eq3A_434 : i32
      %convert_element_type3A_436 = arith.extui %eq3A_435 : i1 to i32
      %cond3A_437 = arith.constant 0 : i32
      %cond3A_438 = arith.cmpi ne, %convert_element_type3A_436, %cond3A_437 : i32
      scf.if %cond3A_438 {
        "tpu.region"() ({
          %run_scoped3A = tpu.sem_alloc : memref<!tpu.dma_semaphore, #tpu.memory_space<semaphore_mem>>
          %dma_start3A_439 = arith.constant 0 : i32
          %dma_start3A_440 = tpu.memref_slice %arg9[%dma_start3A_439] : memref<40960xf32, #tpu.memory_space<vmem_shared>> -> memref<40960xf32, #tpu.memory_space<vmem_shared>>
          tpu.enqueue_indirect_dma source(%arg17 : memref<128xf32, #tpu.memory_space<vmem>>) target(%dma_start3A_440 : memref<40960xf32, #tpu.memory_space<vmem_shared>>) offsets(%arg15 : memref<128xi32, #tpu.memory_space<vmem>>) semaphore(%run_scoped3A : memref<!tpu.dma_semaphore, #tpu.memory_space<semaphore_mem>>) {add = true}
          %dma_wait3A_441 = arith.constant 0 : i32
          %dma_wait3A_442 = tpu.memref_slice %arg9[%dma_wait3A_441] : memref<40960xf32, #tpu.memory_space<vmem_shared>> -> memref<40960xf32, #tpu.memory_space<vmem_shared>>
          tpu.wait_indirect_dma semaphore(%run_scoped3A : memref<!tpu.dma_semaphore, #tpu.memory_space<semaphore_mem>>) src(%arg17 : memref<128xf32, #tpu.memory_space<vmem>>) dst(%dma_wait3A_442 : memref<40960xf32, #tpu.memory_space<vmem_shared>>)
          tpu.yield
        }) : () -> ()
      } else {
      }
    }
    %scan3A_96 = arith.constant 157 : i32
    %barrier3A_97 = arith.constant 0 : index
    tpu.barrier barrier_id(%barrier3A_97)
    %mul3A_98 = arith.constant 2560 : i32
    %mul3A_99 = arith.muli %arg1, %mul3A_98 : i32
    %add3A_100 = arith.constant 0 : i32
    %add3A_101 = arith.addi %mul3A_99, %add3A_100 : i32
    "tpu.region"() ({
      %run_scoped3A = tpu.sem_alloc : memref<!tpu.dma_semaphore, #tpu.memory_space<semaphore_mem>>
      %dma_start3A = arith.constant 0 : i32
      %dma_start3A_177 = tpu.memref_slice %arg8[%add3A_101, %dma_start3A] : memref<40960x32xf32, #tpu.memory_space<vmem_shared>> -> memref<512x32xf32, #tpu.memory_space<vmem_shared>>
      %dma_start3A_178 = arith.constant 0 : i32
      %dma_start3A_179 = tpu.memref_slice %arg8[%add3A_101, %dma_start3A_178] : memref<40960x32xf32, #tpu.memory_space<vmem_shared>> -> memref<512x32xf32, #tpu.memory_space<vmem_shared>>
      tpu.enqueue_dma source(%dma_start3A_179 : memref<512x32xf32, #tpu.memory_space<vmem_shared>>) target(%arg20 : memref<512x32xf32, #tpu.memory_space<vmem>>) target_semaphore(%run_scoped3A : memref<!tpu.dma_semaphore, #tpu.memory_space<semaphore_mem>>)
      %dma_wait3A = arith.constant 0 : i32
      %dma_wait3A_180 = tpu.memref_slice %arg8[%add3A_101, %dma_wait3A] : memref<40960x32xf32, #tpu.memory_space<vmem_shared>> -> memref<512x32xf32, #tpu.memory_space<vmem_shared>>
      %dma_wait3A_181 = arith.constant 0 : i32
      %dma_wait3A_182 = tpu.memref_slice %arg8[%add3A_101, %dma_wait3A_181] : memref<40960x32xf32, #tpu.memory_space<vmem_shared>> -> memref<512x32xf32, #tpu.memory_space<vmem_shared>>
      tpu.wait_dma2 semaphore(%run_scoped3A : memref<!tpu.dma_semaphore, #tpu.memory_space<semaphore_mem>>) src(%dma_wait3A_182 : memref<512x32xf32, #tpu.memory_space<vmem_shared>>) dst(%arg20 : memref<512x32xf32, #tpu.memory_space<vmem>>)
      tpu.yield
    }) : () -> ()
    "tpu.region"() ({
      %run_scoped3A = tpu.sem_alloc : memref<!tpu.dma_semaphore, #tpu.memory_space<semaphore_mem>>
      %dma_start3A = arith.constant 0 : i32
      %dma_start3A_177 = tpu.memref_slice %arg6[%add3A_67, %add3A_101, %dma_start3A] : memref<4x40960x32xf32, #tpu.memory_space<hbm>> -> memref<1x512x32xf32, #tpu.memory_space<hbm>>
      %dma_start3A_178 = tpu.memref_squeeze %dma_start3A_177 : memref<1x512x32xf32, #tpu.memory_space<hbm>> -> memref<512x32xf32, #tpu.memory_space<hbm>>
      %dma_start3A_179 = arith.constant 0 : i32
      %dma_start3A_180 = tpu.memref_slice %arg6[%add3A_67, %add3A_101, %dma_start3A_179] : memref<4x40960x32xf32, #tpu.memory_space<hbm>> -> memref<1x512x32xf32, #tpu.memory_space<hbm>>
      %dma_start3A_181 = tpu.memref_squeeze %dma_start3A_180 : memref<1x512x32xf32, #tpu.memory_space<hbm>> -> memref<512x32xf32, #tpu.memory_space<hbm>>
      tpu.enqueue_dma source(%arg20 : memref<512x32xf32, #tpu.memory_space<vmem>>) target(%dma_start3A_181 : memref<512x32xf32, #tpu.memory_space<hbm>>) target_semaphore(%run_scoped3A : memref<!tpu.dma_semaphore, #tpu.memory_space<semaphore_mem>>)
      %dma_wait3A = arith.constant 0 : i32
      %dma_wait3A_182 = tpu.memref_slice %arg6[%add3A_67, %add3A_101, %dma_wait3A] : memref<4x40960x32xf32, #tpu.memory_space<hbm>> -> memref<1x512x32xf32, #tpu.memory_space<hbm>>
      %dma_wait3A_183 = tpu.memref_squeeze %dma_wait3A_182 : memref<1x512x32xf32, #tpu.memory_space<hbm>> -> memref<512x32xf32, #tpu.memory_space<hbm>>
      %dma_wait3A_184 = arith.constant 0 : i32
      %dma_wait3A_185 = tpu.memref_slice %arg6[%add3A_67, %add3A_101, %dma_wait3A_184] : memref<4x40960x32xf32, #tpu.memory_space<hbm>> -> memref<1x512x32xf32, #tpu.memory_space<hbm>>
      %dma_wait3A_186 = tpu.memref_squeeze %dma_wait3A_185 : memref<1x512x32xf32, #tpu.memory_space<hbm>> -> memref<512x32xf32, #tpu.memory_space<hbm>>
      tpu.wait_dma2 semaphore(%run_scoped3A : memref<!tpu.dma_semaphore, #tpu.memory_space<semaphore_mem>>) src(%arg20 : memref<512x32xf32, #tpu.memory_space<vmem>>) dst(%dma_wait3A_186 : memref<512x32xf32, #tpu.memory_space<hbm>>)
      tpu.yield
    }) : () -> ()
    %mul3A_102 = arith.constant 2560 : i32
    %mul3A_103 = arith.muli %arg1, %mul3A_102 : i32
    %add3A_104 = arith.constant 512 : i32
    %add3A_105 = arith.addi %mul3A_103, %add3A_104 : i32
    "tpu.region"() ({
      %run_scoped3A = tpu.sem_alloc : memref<!tpu.dma_semaphore, #tpu.memory_space<semaphore_mem>>
      %dma_start3A = arith.constant 0 : i32
      %dma_start3A_177 = tpu.memref_slice %arg8[%add3A_105, %dma_start3A] : memref<40960x32xf32, #tpu.memory_space<vmem_shared>> -> memref<512x32xf32, #tpu.memory_space<vmem_shared>>
      %dma_start3A_178 = arith.constant 0 : i32
      %dma_start3A_179 = tpu.memref_slice %arg8[%add3A_105, %dma_start3A_178] : memref<40960x32xf32, #tpu.memory_space<vmem_shared>> -> memref<512x32xf32, #tpu.memory_space<vmem_shared>>
      tpu.enqueue_dma source(%dma_start3A_179 : memref<512x32xf32, #tpu.memory_space<vmem_shared>>) target(%arg20 : memref<512x32xf32, #tpu.memory_space<vmem>>) target_semaphore(%run_scoped3A : memref<!tpu.dma_semaphore, #tpu.memory_space<semaphore_mem>>)
      %dma_wait3A = arith.constant 0 : i32
      %dma_wait3A_180 = tpu.memref_slice %arg8[%add3A_105, %dma_wait3A] : memref<40960x32xf32, #tpu.memory_space<vmem_shared>> -> memref<512x32xf32, #tpu.memory_space<vmem_shared>>
      %dma_wait3A_181 = arith.constant 0 : i32
      %dma_wait3A_182 = tpu.memref_slice %arg8[%add3A_105, %dma_wait3A_181] : memref<40960x32xf32, #tpu.memory_space<vmem_shared>> -> memref<512x32xf32, #tpu.memory_space<vmem_shared>>
      tpu.wait_dma2 semaphore(%run_scoped3A : memref<!tpu.dma_semaphore, #tpu.memory_space<semaphore_mem>>) src(%dma_wait3A_182 : memref<512x32xf32, #tpu.memory_space<vmem_shared>>) dst(%arg20 : memref<512x32xf32, #tpu.memory_space<vmem>>)
      tpu.yield
    }) : () -> ()
    "tpu.region"() ({
      %run_scoped3A = tpu.sem_alloc : memref<!tpu.dma_semaphore, #tpu.memory_space<semaphore_mem>>
      %dma_start3A = arith.constant 0 : i32
      %dma_start3A_177 = tpu.memref_slice %arg6[%add3A_67, %add3A_105, %dma_start3A] : memref<4x40960x32xf32, #tpu.memory_space<hbm>> -> memref<1x512x32xf32, #tpu.memory_space<hbm>>
      %dma_start3A_178 = tpu.memref_squeeze %dma_start3A_177 : memref<1x512x32xf32, #tpu.memory_space<hbm>> -> memref<512x32xf32, #tpu.memory_space<hbm>>
      %dma_start3A_179 = arith.constant 0 : i32
      %dma_start3A_180 = tpu.memref_slice %arg6[%add3A_67, %add3A_105, %dma_start3A_179] : memref<4x40960x32xf32, #tpu.memory_space<hbm>> -> memref<1x512x32xf32, #tpu.memory_space<hbm>>
      %dma_start3A_181 = tpu.memref_squeeze %dma_start3A_180 : memref<1x512x32xf32, #tpu.memory_space<hbm>> -> memref<512x32xf32, #tpu.memory_space<hbm>>
      tpu.enqueue_dma source(%arg20 : memref<512x32xf32, #tpu.memory_space<vmem>>) target(%dma_start3A_181 : memref<512x32xf32, #tpu.memory_space<hbm>>) target_semaphore(%run_scoped3A : memref<!tpu.dma_semaphore, #tpu.memory_space<semaphore_mem>>)
      %dma_wait3A = arith.constant 0 : i32
      %dma_wait3A_182 = tpu.memref_slice %arg6[%add3A_67, %add3A_105, %dma_wait3A] : memref<4x40960x32xf32, #tpu.memory_space<hbm>> -> memref<1x512x32xf32, #tpu.memory_space<hbm>>
      %dma_wait3A_183 = tpu.memref_squeeze %dma_wait3A_182 : memref<1x512x32xf32, #tpu.memory_space<hbm>> -> memref<512x32xf32, #tpu.memory_space<hbm>>
      %dma_wait3A_184 = arith.constant 0 : i32
      %dma_wait3A_185 = tpu.memref_slice %arg6[%add3A_67, %add3A_105, %dma_wait3A_184] : memref<4x40960x32xf32, #tpu.memory_space<hbm>> -> memref<1x512x32xf32, #tpu.memory_space<hbm>>
      %dma_wait3A_186 = tpu.memref_squeeze %dma_wait3A_185 : memref<1x512x32xf32, #tpu.memory_space<hbm>> -> memref<512x32xf32, #tpu.memory_space<hbm>>
      tpu.wait_dma2 semaphore(%run_scoped3A : memref<!tpu.dma_semaphore, #tpu.memory_space<semaphore_mem>>) src(%arg20 : memref<512x32xf32, #tpu.memory_space<vmem>>) dst(%dma_wait3A_186 : memref<512x32xf32, #tpu.memory_space<hbm>>)
      tpu.yield
    }) : () -> ()
    %mul3A_106 = arith.constant 2560 : i32
    %mul3A_107 = arith.muli %arg1, %mul3A_106 : i32
    %add3A_108 = arith.constant 1024 : i32
    %add3A_109 = arith.addi %mul3A_107, %add3A_108 : i32
    "tpu.region"() ({
      %run_scoped3A = tpu.sem_alloc : memref<!tpu.dma_semaphore, #tpu.memory_space<semaphore_mem>>
      %dma_start3A = arith.constant 0 : i32
      %dma_start3A_177 = tpu.memref_slice %arg8[%add3A_109, %dma_start3A] : memref<40960x32xf32, #tpu.memory_space<vmem_shared>> -> memref<512x32xf32, #tpu.memory_space<vmem_shared>>
      %dma_start3A_178 = arith.constant 0 : i32
      %dma_start3A_179 = tpu.memref_slice %arg8[%add3A_109, %dma_start3A_178] : memref<40960x32xf32, #tpu.memory_space<vmem_shared>> -> memref<512x32xf32, #tpu.memory_space<vmem_shared>>
      tpu.enqueue_dma source(%dma_start3A_179 : memref<512x32xf32, #tpu.memory_space<vmem_shared>>) target(%arg20 : memref<512x32xf32, #tpu.memory_space<vmem>>) target_semaphore(%run_scoped3A : memref<!tpu.dma_semaphore, #tpu.memory_space<semaphore_mem>>)
      %dma_wait3A = arith.constant 0 : i32
      %dma_wait3A_180 = tpu.memref_slice %arg8[%add3A_109, %dma_wait3A] : memref<40960x32xf32, #tpu.memory_space<vmem_shared>> -> memref<512x32xf32, #tpu.memory_space<vmem_shared>>
      %dma_wait3A_181 = arith.constant 0 : i32
      %dma_wait3A_182 = tpu.memref_slice %arg8[%add3A_109, %dma_wait3A_181] : memref<40960x32xf32, #tpu.memory_space<vmem_shared>> -> memref<512x32xf32, #tpu.memory_space<vmem_shared>>
      tpu.wait_dma2 semaphore(%run_scoped3A : memref<!tpu.dma_semaphore, #tpu.memory_space<semaphore_mem>>) src(%dma_wait3A_182 : memref<512x32xf32, #tpu.memory_space<vmem_shared>>) dst(%arg20 : memref<512x32xf32, #tpu.memory_space<vmem>>)
      tpu.yield
    }) : () -> ()
    "tpu.region"() ({
      %run_scoped3A = tpu.sem_alloc : memref<!tpu.dma_semaphore, #tpu.memory_space<semaphore_mem>>
      %dma_start3A = arith.constant 0 : i32
      %dma_start3A_177 = tpu.memref_slice %arg6[%add3A_67, %add3A_109, %dma_start3A] : memref<4x40960x32xf32, #tpu.memory_space<hbm>> -> memref<1x512x32xf32, #tpu.memory_space<hbm>>
      %dma_start3A_178 = tpu.memref_squeeze %dma_start3A_177 : memref<1x512x32xf32, #tpu.memory_space<hbm>> -> memref<512x32xf32, #tpu.memory_space<hbm>>
      %dma_start3A_179 = arith.constant 0 : i32
      %dma_start3A_180 = tpu.memref_slice %arg6[%add3A_67, %add3A_109, %dma_start3A_179] : memref<4x40960x32xf32, #tpu.memory_space<hbm>> -> memref<1x512x32xf32, #tpu.memory_space<hbm>>
      %dma_start3A_181 = tpu.memref_squeeze %dma_start3A_180 : memref<1x512x32xf32, #tpu.memory_space<hbm>> -> memref<512x32xf32, #tpu.memory_space<hbm>>
      tpu.enqueue_dma source(%arg20 : memref<512x32xf32, #tpu.memory_space<vmem>>) target(%dma_start3A_181 : memref<512x32xf32, #tpu.memory_space<hbm>>) target_semaphore(%run_scoped3A : memref<!tpu.dma_semaphore, #tpu.memory_space<semaphore_mem>>)
      %dma_wait3A = arith.constant 0 : i32
      %dma_wait3A_182 = tpu.memref_slice %arg6[%add3A_67, %add3A_109, %dma_wait3A] : memref<4x40960x32xf32, #tpu.memory_space<hbm>> -> memref<1x512x32xf32, #tpu.memory_space<hbm>>
      %dma_wait3A_183 = tpu.memref_squeeze %dma_wait3A_182 : memref<1x512x32xf32, #tpu.memory_space<hbm>> -> memref<512x32xf32, #tpu.memory_space<hbm>>
      %dma_wait3A_184 = arith.constant 0 : i32
      %dma_wait3A_185 = tpu.memref_slice %arg6[%add3A_67, %add3A_109, %dma_wait3A_184] : memref<4x40960x32xf32, #tpu.memory_space<hbm>> -> memref<1x512x32xf32, #tpu.memory_space<hbm>>
      %dma_wait3A_186 = tpu.memref_squeeze %dma_wait3A_185 : memref<1x512x32xf32, #tpu.memory_space<hbm>> -> memref<512x32xf32, #tpu.memory_space<hbm>>
      tpu.wait_dma2 semaphore(%run_scoped3A : memref<!tpu.dma_semaphore, #tpu.memory_space<semaphore_mem>>) src(%arg20 : memref<512x32xf32, #tpu.memory_space<vmem>>) dst(%dma_wait3A_186 : memref<512x32xf32, #tpu.memory_space<hbm>>)
      tpu.yield
    }) : () -> ()
    %mul3A_110 = arith.constant 2560 : i32
    %mul3A_111 = arith.muli %arg1, %mul3A_110 : i32
    %add3A_112 = arith.constant 1536 : i32
    %add3A_113 = arith.addi %mul3A_111, %add3A_112 : i32
    "tpu.region"() ({
      %run_scoped3A = tpu.sem_alloc : memref<!tpu.dma_semaphore, #tpu.memory_space<semaphore_mem>>
      %dma_start3A = arith.constant 0 : i32
      %dma_start3A_177 = tpu.memref_slice %arg8[%add3A_113, %dma_start3A] : memref<40960x32xf32, #tpu.memory_space<vmem_shared>> -> memref<512x32xf32, #tpu.memory_space<vmem_shared>>
      %dma_start3A_178 = arith.constant 0 : i32
      %dma_start3A_179 = tpu.memref_slice %arg8[%add3A_113, %dma_start3A_178] : memref<40960x32xf32, #tpu.memory_space<vmem_shared>> -> memref<512x32xf32, #tpu.memory_space<vmem_shared>>
      tpu.enqueue_dma source(%dma_start3A_179 : memref<512x32xf32, #tpu.memory_space<vmem_shared>>) target(%arg20 : memref<512x32xf32, #tpu.memory_space<vmem>>) target_semaphore(%run_scoped3A : memref<!tpu.dma_semaphore, #tpu.memory_space<semaphore_mem>>)
      %dma_wait3A = arith.constant 0 : i32
      %dma_wait3A_180 = tpu.memref_slice %arg8[%add3A_113, %dma_wait3A] : memref<40960x32xf32, #tpu.memory_space<vmem_shared>> -> memref<512x32xf32, #tpu.memory_space<vmem_shared>>
      %dma_wait3A_181 = arith.constant 0 : i32
      %dma_wait3A_182 = tpu.memref_slice %arg8[%add3A_113, %dma_wait3A_181] : memref<40960x32xf32, #tpu.memory_space<vmem_shared>> -> memref<512x32xf32, #tpu.memory_space<vmem_shared>>
      tpu.wait_dma2 semaphore(%run_scoped3A : memref<!tpu.dma_semaphore, #tpu.memory_space<semaphore_mem>>) src(%dma_wait3A_182 : memref<512x32xf32, #tpu.memory_space<vmem_shared>>) dst(%arg20 : memref<512x32xf32, #tpu.memory_space<vmem>>)
      tpu.yield
    }) : () -> ()
    "tpu.region"() ({
      %run_scoped3A = tpu.sem_alloc : memref<!tpu.dma_semaphore, #tpu.memory_space<semaphore_mem>>
      %dma_start3A = arith.constant 0 : i32
      %dma_start3A_177 = tpu.memref_slice %arg6[%add3A_67, %add3A_113, %dma_start3A] : memref<4x40960x32xf32, #tpu.memory_space<hbm>> -> memref<1x512x32xf32, #tpu.memory_space<hbm>>
      %dma_start3A_178 = tpu.memref_squeeze %dma_start3A_177 : memref<1x512x32xf32, #tpu.memory_space<hbm>> -> memref<512x32xf32, #tpu.memory_space<hbm>>
      %dma_start3A_179 = arith.constant 0 : i32
      %dma_start3A_180 = tpu.memref_slice %arg6[%add3A_67, %add3A_113, %dma_start3A_179] : memref<4x40960x32xf32, #tpu.memory_space<hbm>> -> memref<1x512x32xf32, #tpu.memory_space<hbm>>
      %dma_start3A_181 = tpu.memref_squeeze %dma_start3A_180 : memref<1x512x32xf32, #tpu.memory_space<hbm>> -> memref<512x32xf32, #tpu.memory_space<hbm>>
      tpu.enqueue_dma source(%arg20 : memref<512x32xf32, #tpu.memory_space<vmem>>) target(%dma_start3A_181 : memref<512x32xf32, #tpu.memory_space<hbm>>) target_semaphore(%run_scoped3A : memref<!tpu.dma_semaphore, #tpu.memory_space<semaphore_mem>>)
      %dma_wait3A = arith.constant 0 : i32
      %dma_wait3A_182 = tpu.memref_slice %arg6[%add3A_67, %add3A_113, %dma_wait3A] : memref<4x40960x32xf32, #tpu.memory_space<hbm>> -> memref<1x512x32xf32, #tpu.memory_space<hbm>>
      %dma_wait3A_183 = tpu.memref_squeeze %dma_wait3A_182 : memref<1x512x32xf32, #tpu.memory_space<hbm>> -> memref<512x32xf32, #tpu.memory_space<hbm>>
      %dma_wait3A_184 = arith.constant 0 : i32
      %dma_wait3A_185 = tpu.memref_slice %arg6[%add3A_67, %add3A_113, %dma_wait3A_184] : memref<4x40960x32xf32, #tpu.memory_space<hbm>> -> memref<1x512x32xf32, #tpu.memory_space<hbm>>
      %dma_wait3A_186 = tpu.memref_squeeze %dma_wait3A_185 : memref<1x512x32xf32, #tpu.memory_space<hbm>> -> memref<512x32xf32, #tpu.memory_space<hbm>>
      tpu.wait_dma2 semaphore(%run_scoped3A : memref<!tpu.dma_semaphore, #tpu.memory_space<semaphore_mem>>) src(%arg20 : memref<512x32xf32, #tpu.memory_space<vmem>>) dst(%dma_wait3A_186 : memref<512x32xf32, #tpu.memory_space<hbm>>)
      tpu.yield
    }) : () -> ()
    %mul3A_114 = arith.constant 2560 : i32
    %mul3A_115 = arith.muli %arg1, %mul3A_114 : i32
    %add3A_116 = arith.constant 2048 : i32
    %add3A_117 = arith.addi %mul3A_115, %add3A_116 : i32
    "tpu.region"() ({
      %run_scoped3A = tpu.sem_alloc : memref<!tpu.dma_semaphore, #tpu.memory_space<semaphore_mem>>
      %dma_start3A = arith.constant 0 : i32
      %dma_start3A_177 = tpu.memref_slice %arg8[%add3A_117, %dma_start3A] : memref<40960x32xf32, #tpu.memory_space<vmem_shared>> -> memref<512x32xf32, #tpu.memory_space<vmem_shared>>
      %dma_start3A_178 = arith.constant 0 : i32
      %dma_start3A_179 = tpu.memref_slice %arg8[%add3A_117, %dma_start3A_178] : memref<40960x32xf32, #tpu.memory_space<vmem_shared>> -> memref<512x32xf32, #tpu.memory_space<vmem_shared>>
      tpu.enqueue_dma source(%dma_start3A_179 : memref<512x32xf32, #tpu.memory_space<vmem_shared>>) target(%arg20 : memref<512x32xf32, #tpu.memory_space<vmem>>) target_semaphore(%run_scoped3A : memref<!tpu.dma_semaphore, #tpu.memory_space<semaphore_mem>>)
      %dma_wait3A = arith.constant 0 : i32
      %dma_wait3A_180 = tpu.memref_slice %arg8[%add3A_117, %dma_wait3A] : memref<40960x32xf32, #tpu.memory_space<vmem_shared>> -> memref<512x32xf32, #tpu.memory_space<vmem_shared>>
      %dma_wait3A_181 = arith.constant 0 : i32
      %dma_wait3A_182 = tpu.memref_slice %arg8[%add3A_117, %dma_wait3A_181] : memref<40960x32xf32, #tpu.memory_space<vmem_shared>> -> memref<512x32xf32, #tpu.memory_space<vmem_shared>>
      tpu.wait_dma2 semaphore(%run_scoped3A : memref<!tpu.dma_semaphore, #tpu.memory_space<semaphore_mem>>) src(%dma_wait3A_182 : memref<512x32xf32, #tpu.memory_space<vmem_shared>>) dst(%arg20 : memref<512x32xf32, #tpu.memory_space<vmem>>)
      tpu.yield
    }) : () -> ()
    "tpu.region"() ({
      %run_scoped3A = tpu.sem_alloc : memref<!tpu.dma_semaphore, #tpu.memory_space<semaphore_mem>>
      %dma_start3A = arith.constant 0 : i32
      %dma_start3A_177 = tpu.memref_slice %arg6[%add3A_67, %add3A_117, %dma_start3A] : memref<4x40960x32xf32, #tpu.memory_space<hbm>> -> memref<1x512x32xf32, #tpu.memory_space<hbm>>
      %dma_start3A_178 = tpu.memref_squeeze %dma_start3A_177 : memref<1x512x32xf32, #tpu.memory_space<hbm>> -> memref<512x32xf32, #tpu.memory_space<hbm>>
      %dma_start3A_179 = arith.constant 0 : i32
      %dma_start3A_180 = tpu.memref_slice %arg6[%add3A_67, %add3A_117, %dma_start3A_179] : memref<4x40960x32xf32, #tpu.memory_space<hbm>> -> memref<1x512x32xf32, #tpu.memory_space<hbm>>
      %dma_start3A_181 = tpu.memref_squeeze %dma_start3A_180 : memref<1x512x32xf32, #tpu.memory_space<hbm>> -> memref<512x32xf32, #tpu.memory_space<hbm>>
      tpu.enqueue_dma source(%arg20 : memref<512x32xf32, #tpu.memory_space<vmem>>) target(%dma_start3A_181 : memref<512x32xf32, #tpu.memory_space<hbm>>) target_semaphore(%run_scoped3A : memref<!tpu.dma_semaphore, #tpu.memory_space<semaphore_mem>>)
      %dma_wait3A = arith.constant 0 : i32
      %dma_wait3A_182 = tpu.memref_slice %arg6[%add3A_67, %add3A_117, %dma_wait3A] : memref<4x40960x32xf32, #tpu.memory_space<hbm>> -> memref<1x512x32xf32, #tpu.memory_space<hbm>>
      %dma_wait3A_183 = tpu.memref_squeeze %dma_wait3A_182 : memref<1x512x32xf32, #tpu.memory_space<hbm>> -> memref<512x32xf32, #tpu.memory_space<hbm>>
      %dma_wait3A_184 = arith.constant 0 : i32
      %dma_wait3A_185 = tpu.memref_slice %arg6[%add3A_67, %add3A_117, %dma_wait3A_184] : memref<4x40960x32xf32, #tpu.memory_space<hbm>> -> memref<1x512x32xf32, #tpu.memory_space<hbm>>
      %dma_wait3A_186 = tpu.memref_squeeze %dma_wait3A_185 : memref<1x512x32xf32, #tpu.memory_space<hbm>> -> memref<512x32xf32, #tpu.memory_space<hbm>>
      tpu.wait_dma2 semaphore(%run_scoped3A : memref<!tpu.dma_semaphore, #tpu.memory_space<semaphore_mem>>) src(%arg20 : memref<512x32xf32, #tpu.memory_space<vmem>>) dst(%dma_wait3A_186 : memref<512x32xf32, #tpu.memory_space<hbm>>)
      tpu.yield
    }) : () -> ()
    %eq3A_118 = arith.constant 0 : i32
    %eq3A_119 = arith.cmpi eq, %arg0, %eq3A_118 : i32
    %convert_element_type3A_120 = arith.extui %eq3A_119 : i1 to i32
    %cond3A_121 = arith.constant 0 : i32
    %cond3A_122 = arith.cmpi ne, %convert_element_type3A_120, %cond3A_121 : i32
    scf.if %cond3A_122 {
      %mul3A_177 = arith.constant 2560 : i32
      %mul3A_178 = arith.muli %arg1, %mul3A_177 : i32
      "tpu.region"() ({
        %run_scoped3A = tpu.sem_alloc : memref<!tpu.dma_semaphore, #tpu.memory_space<semaphore_mem>>
        %dma_start3A = tpu.memref_slice %arg9[%mul3A_178] : memref<40960xf32, #tpu.memory_space<vmem_shared>> -> memref<2560xf32, #tpu.memory_space<vmem_shared>>
        %dma_start3A_181 = tpu.memref_slice %arg9[%mul3A_178] : memref<40960xf32, #tpu.memory_space<vmem_shared>> -> memref<2560xf32, #tpu.memory_space<vmem_shared>>
        tpu.enqueue_dma source(%dma_start3A_181 : memref<2560xf32, #tpu.memory_space<vmem_shared>>) target(%arg21 : memref<2560xf32, #tpu.memory_space<vmem>>) target_semaphore(%run_scoped3A : memref<!tpu.dma_semaphore, #tpu.memory_space<semaphore_mem>>)
        %dma_wait3A = tpu.memref_slice %arg9[%mul3A_178] : memref<40960xf32, #tpu.memory_space<vmem_shared>> -> memref<2560xf32, #tpu.memory_space<vmem_shared>>
        %dma_wait3A_182 = tpu.memref_slice %arg9[%mul3A_178] : memref<40960xf32, #tpu.memory_space<vmem_shared>> -> memref<2560xf32, #tpu.memory_space<vmem_shared>>
        tpu.wait_dma2 semaphore(%run_scoped3A : memref<!tpu.dma_semaphore, #tpu.memory_space<semaphore_mem>>) src(%dma_wait3A_182 : memref<2560xf32, #tpu.memory_space<vmem_shared>>) dst(%arg21 : memref<2560xf32, #tpu.memory_space<vmem>>)
        tpu.yield
      }) : () -> ()
      %mul3A_179 = arith.constant 2560 : i32
      %mul3A_180 = arith.muli %arg1, %mul3A_179 : i32
      "tpu.region"() ({
        %run_scoped3A = tpu.sem_alloc : memref<!tpu.dma_semaphore, #tpu.memory_space<semaphore_mem>>
        %dma_start3A = tpu.memref_slice %arg7[%mul3A_180] : memref<40960xf32, #tpu.memory_space<hbm>> -> memref<2560xf32, #tpu.memory_space<hbm>>
        %dma_start3A_181 = tpu.memref_slice %arg7[%mul3A_180] : memref<40960xf32, #tpu.memory_space<hbm>> -> memref<2560xf32, #tpu.memory_space<hbm>>
        tpu.enqueue_dma source(%arg21 : memref<2560xf32, #tpu.memory_space<vmem>>) target(%dma_start3A_181 : memref<2560xf32, #tpu.memory_space<hbm>>) target_semaphore(%run_scoped3A : memref<!tpu.dma_semaphore, #tpu.memory_space<semaphore_mem>>)
        %dma_wait3A = tpu.memref_slice %arg7[%mul3A_180] : memref<40960xf32, #tpu.memory_space<hbm>> -> memref<2560xf32, #tpu.memory_space<hbm>>
        %dma_wait3A_182 = tpu.memref_slice %arg7[%mul3A_180] : memref<40960xf32, #tpu.memory_space<hbm>> -> memref<2560xf32, #tpu.memory_space<hbm>>
        tpu.wait_dma2 semaphore(%run_scoped3A : memref<!tpu.dma_semaphore, #tpu.memory_space<semaphore_mem>>) src(%arg21 : memref<2560xf32, #tpu.memory_space<vmem>>) dst(%dma_wait3A_182 : memref<2560xf32, #tpu.memory_space<hbm>>)
        tpu.yield
      }) : () -> ()
    } else {
    }
    %barrier3A_123 = arith.constant 0 : index
    tpu.barrier barrier_id(%barrier3A_123)
    %add3A_124 = arith.constant 2 : i32
    %add3A_125 = arith.addi %add3A_124, %arg0 : i32
    %mul3A_126 = arith.constant 10240 : i32
    %mul3A_127 = arith.muli %add3A_125, %mul3A_126 : i32
    %mul3A_128 = arith.constant 2560 : i32
    %mul3A_129 = arith.muli %arg1, %mul3A_128 : i32
    %add3A_130 = arith.constant 0 : i32
    %add3A_131 = arith.addi %mul3A_129, %add3A_130 : i32
    "tpu.region"() ({
      %run_scoped3A = tpu.sem_alloc : memref<!tpu.dma_semaphore, #tpu.memory_space<semaphore_mem>>
      %dma_start3A = arith.constant 0 : i32
      %dma_start3A_177 = tpu.memref_slice %arg8[%add3A_131, %dma_start3A] : memref<40960x32xf32, #tpu.memory_space<vmem_shared>> -> memref<512x32xf32, #tpu.memory_space<vmem_shared>>
      %dma_start3A_178 = arith.constant 0 : i32
      %dma_start3A_179 = tpu.memref_slice %arg8[%add3A_131, %dma_start3A_178] : memref<40960x32xf32, #tpu.memory_space<vmem_shared>> -> memref<512x32xf32, #tpu.memory_space<vmem_shared>>
      tpu.enqueue_dma source(%arg18 : memref<512x32xf32, #tpu.memory_space<vmem>>) target(%dma_start3A_179 : memref<512x32xf32, #tpu.memory_space<vmem_shared>>) target_semaphore(%run_scoped3A : memref<!tpu.dma_semaphore, #tpu.memory_space<semaphore_mem>>)
      %dma_wait3A = arith.constant 0 : i32
      %dma_wait3A_180 = tpu.memref_slice %arg8[%add3A_131, %dma_wait3A] : memref<40960x32xf32, #tpu.memory_space<vmem_shared>> -> memref<512x32xf32, #tpu.memory_space<vmem_shared>>
      %dma_wait3A_181 = arith.constant 0 : i32
      %dma_wait3A_182 = tpu.memref_slice %arg8[%add3A_131, %dma_wait3A_181] : memref<40960x32xf32, #tpu.memory_space<vmem_shared>> -> memref<512x32xf32, #tpu.memory_space<vmem_shared>>
      tpu.wait_dma2 semaphore(%run_scoped3A : memref<!tpu.dma_semaphore, #tpu.memory_space<semaphore_mem>>) src(%arg18 : memref<512x32xf32, #tpu.memory_space<vmem>>) dst(%dma_wait3A_182 : memref<512x32xf32, #tpu.memory_space<vmem_shared>>)
      tpu.yield
    }) : () -> ()
    %mul3A_132 = arith.constant 2560 : i32
    %mul3A_133 = arith.muli %arg1, %mul3A_132 : i32
    %add3A_134 = arith.constant 512 : i32
    %add3A_135 = arith.addi %mul3A_133, %add3A_134 : i32
    "tpu.region"() ({
      %run_scoped3A = tpu.sem_alloc : memref<!tpu.dma_semaphore, #tpu.memory_space<semaphore_mem>>
      %dma_start3A = arith.constant 0 : i32
      %dma_start3A_177 = tpu.memref_slice %arg8[%add3A_135, %dma_start3A] : memref<40960x32xf32, #tpu.memory_space<vmem_shared>> -> memref<512x32xf32, #tpu.memory_space<vmem_shared>>
      %dma_start3A_178 = arith.constant 0 : i32
      %dma_start3A_179 = tpu.memref_slice %arg8[%add3A_135, %dma_start3A_178] : memref<40960x32xf32, #tpu.memory_space<vmem_shared>> -> memref<512x32xf32, #tpu.memory_space<vmem_shared>>
      tpu.enqueue_dma source(%arg18 : memref<512x32xf32, #tpu.memory_space<vmem>>) target(%dma_start3A_179 : memref<512x32xf32, #tpu.memory_space<vmem_shared>>) target_semaphore(%run_scoped3A : memref<!tpu.dma_semaphore, #tpu.memory_space<semaphore_mem>>)
      %dma_wait3A = arith.constant 0 : i32
      %dma_wait3A_180 = tpu.memref_slice %arg8[%add3A_135, %dma_wait3A] : memref<40960x32xf32, #tpu.memory_space<vmem_shared>> -> memref<512x32xf32, #tpu.memory_space<vmem_shared>>
      %dma_wait3A_181 = arith.constant 0 : i32
      %dma_wait3A_182 = tpu.memref_slice %arg8[%add3A_135, %dma_wait3A_181] : memref<40960x32xf32, #tpu.memory_space<vmem_shared>> -> memref<512x32xf32, #tpu.memory_space<vmem_shared>>
      tpu.wait_dma2 semaphore(%run_scoped3A : memref<!tpu.dma_semaphore, #tpu.memory_space<semaphore_mem>>) src(%arg18 : memref<512x32xf32, #tpu.memory_space<vmem>>) dst(%dma_wait3A_182 : memref<512x32xf32, #tpu.memory_space<vmem_shared>>)
      tpu.yield
    }) : () -> ()
    %mul3A_136 = arith.constant 2560 : i32
    %mul3A_137 = arith.muli %arg1, %mul3A_136 : i32
    %add3A_138 = arith.constant 1024 : i32
    %add3A_139 = arith.addi %mul3A_137, %add3A_138 : i32
    "tpu.region"() ({
      %run_scoped3A = tpu.sem_alloc : memref<!tpu.dma_semaphore, #tpu.memory_space<semaphore_mem>>
      %dma_start3A = arith.constant 0 : i32
      %dma_start3A_177 = tpu.memref_slice %arg8[%add3A_139, %dma_start3A] : memref<40960x32xf32, #tpu.memory_space<vmem_shared>> -> memref<512x32xf32, #tpu.memory_space<vmem_shared>>
      %dma_start3A_178 = arith.constant 0 : i32
      %dma_start3A_179 = tpu.memref_slice %arg8[%add3A_139, %dma_start3A_178] : memref<40960x32xf32, #tpu.memory_space<vmem_shared>> -> memref<512x32xf32, #tpu.memory_space<vmem_shared>>
      tpu.enqueue_dma source(%arg18 : memref<512x32xf32, #tpu.memory_space<vmem>>) target(%dma_start3A_179 : memref<512x32xf32, #tpu.memory_space<vmem_shared>>) target_semaphore(%run_scoped3A : memref<!tpu.dma_semaphore, #tpu.memory_space<semaphore_mem>>)
      %dma_wait3A = arith.constant 0 : i32
      %dma_wait3A_180 = tpu.memref_slice %arg8[%add3A_139, %dma_wait3A] : memref<40960x32xf32, #tpu.memory_space<vmem_shared>> -> memref<512x32xf32, #tpu.memory_space<vmem_shared>>
      %dma_wait3A_181 = arith.constant 0 : i32
      %dma_wait3A_182 = tpu.memref_slice %arg8[%add3A_139, %dma_wait3A_181] : memref<40960x32xf32, #tpu.memory_space<vmem_shared>> -> memref<512x32xf32, #tpu.memory_space<vmem_shared>>
      tpu.wait_dma2 semaphore(%run_scoped3A : memref<!tpu.dma_semaphore, #tpu.memory_space<semaphore_mem>>) src(%arg18 : memref<512x32xf32, #tpu.memory_space<vmem>>) dst(%dma_wait3A_182 : memref<512x32xf32, #tpu.memory_space<vmem_shared>>)
      tpu.yield
    }) : () -> ()
    %mul3A_140 = arith.constant 2560 : i32
    %mul3A_141 = arith.muli %arg1, %mul3A_140 : i32
    %add3A_142 = arith.constant 1536 : i32
    %add3A_143 = arith.addi %mul3A_141, %add3A_142 : i32
    "tpu.region"() ({
      %run_scoped3A = tpu.sem_alloc : memref<!tpu.dma_semaphore, #tpu.memory_space<semaphore_mem>>
      %dma_start3A = arith.constant 0 : i32
      %dma_start3A_177 = tpu.memref_slice %arg8[%add3A_143, %dma_start3A] : memref<40960x32xf32, #tpu.memory_space<vmem_shared>> -> memref<512x32xf32, #tpu.memory_space<vmem_shared>>
      %dma_start3A_178 = arith.constant 0 : i32
      %dma_start3A_179 = tpu.memref_slice %arg8[%add3A_143, %dma_start3A_178] : memref<40960x32xf32, #tpu.memory_space<vmem_shared>> -> memref<512x32xf32, #tpu.memory_space<vmem_shared>>
      tpu.enqueue_dma source(%arg18 : memref<512x32xf32, #tpu.memory_space<vmem>>) target(%dma_start3A_179 : memref<512x32xf32, #tpu.memory_space<vmem_shared>>) target_semaphore(%run_scoped3A : memref<!tpu.dma_semaphore, #tpu.memory_space<semaphore_mem>>)
      %dma_wait3A = arith.constant 0 : i32
      %dma_wait3A_180 = tpu.memref_slice %arg8[%add3A_143, %dma_wait3A] : memref<40960x32xf32, #tpu.memory_space<vmem_shared>> -> memref<512x32xf32, #tpu.memory_space<vmem_shared>>
      %dma_wait3A_181 = arith.constant 0 : i32
      %dma_wait3A_182 = tpu.memref_slice %arg8[%add3A_143, %dma_wait3A_181] : memref<40960x32xf32, #tpu.memory_space<vmem_shared>> -> memref<512x32xf32, #tpu.memory_space<vmem_shared>>
      tpu.wait_dma2 semaphore(%run_scoped3A : memref<!tpu.dma_semaphore, #tpu.memory_space<semaphore_mem>>) src(%arg18 : memref<512x32xf32, #tpu.memory_space<vmem>>) dst(%dma_wait3A_182 : memref<512x32xf32, #tpu.memory_space<vmem_shared>>)
      tpu.yield
    }) : () -> ()
    %mul3A_144 = arith.constant 2560 : i32
    %mul3A_145 = arith.muli %arg1, %mul3A_144 : i32
    %add3A_146 = arith.constant 2048 : i32
    %add3A_147 = arith.addi %mul3A_145, %add3A_146 : i32
    "tpu.region"() ({
      %run_scoped3A = tpu.sem_alloc : memref<!tpu.dma_semaphore, #tpu.memory_space<semaphore_mem>>
      %dma_start3A = arith.constant 0 : i32
      %dma_start3A_177 = tpu.memref_slice %arg8[%add3A_147, %dma_start3A] : memref<40960x32xf32, #tpu.memory_space<vmem_shared>> -> memref<512x32xf32, #tpu.memory_space<vmem_shared>>
      %dma_start3A_178 = arith.constant 0 : i32
      %dma_start3A_179 = tpu.memref_slice %arg8[%add3A_147, %dma_start3A_178] : memref<40960x32xf32, #tpu.memory_space<vmem_shared>> -> memref<512x32xf32, #tpu.memory_space<vmem_shared>>
      tpu.enqueue_dma source(%arg18 : memref<512x32xf32, #tpu.memory_space<vmem>>) target(%dma_start3A_179 : memref<512x32xf32, #tpu.memory_space<vmem_shared>>) target_semaphore(%run_scoped3A : memref<!tpu.dma_semaphore, #tpu.memory_space<semaphore_mem>>)
      %dma_wait3A = arith.constant 0 : i32
      %dma_wait3A_180 = tpu.memref_slice %arg8[%add3A_147, %dma_wait3A] : memref<40960x32xf32, #tpu.memory_space<vmem_shared>> -> memref<512x32xf32, #tpu.memory_space<vmem_shared>>
      %dma_wait3A_181 = arith.constant 0 : i32
      %dma_wait3A_182 = tpu.memref_slice %arg8[%add3A_147, %dma_wait3A_181] : memref<40960x32xf32, #tpu.memory_space<vmem_shared>> -> memref<512x32xf32, #tpu.memory_space<vmem_shared>>
      tpu.wait_dma2 semaphore(%run_scoped3A : memref<!tpu.dma_semaphore, #tpu.memory_space<semaphore_mem>>) src(%arg18 : memref<512x32xf32, #tpu.memory_space<vmem>>) dst(%dma_wait3A_182 : memref<512x32xf32, #tpu.memory_space<vmem_shared>>)
      tpu.yield
    }) : () -> ()
    %barrier3A_148 = arith.constant 0 : index
    tpu.barrier barrier_id(%barrier3A_148)
    %scan3A_149 = arith.constant 0 : i32
    %scan3A_150 = arith.constant 0 : i32
    %scan3A_151 = arith.constant 157 : i32
    %scan3A_152 = arith.addi %scan3A_150, %scan3A_151 : i32
    %scan3A_153 = arith.constant 1 : i32
    scf.for %scan3A_177 = %scan3A_150 to %scan3A_152 step %scan3A_153  : i32 {
      %mul3A_178 = arith.constant 20096 : i32
      %mul3A_179 = arith.muli %arg1, %mul3A_178 : i32
      %mul3A_180 = arith.constant 128 : i32
      %mul3A_181 = arith.muli %scan3A_177, %mul3A_180 : i32
      %add3A_182 = arith.addi %mul3A_179, %mul3A_181 : i32
      "tpu.region"() ({
        %run_scoped3A = tpu.sem_alloc : memref<!tpu.dma_semaphore, #tpu.memory_space<semaphore_mem>>
        %dma_start3A_370 = tpu.memref_slice %arg3[%add3A_182] : memref<321536xi32, #tpu.memory_space<hbm>> -> memref<128xi32, #tpu.memory_space<hbm>>
        %dma_start3A_371 = tpu.memref_slice %arg3[%add3A_182] : memref<321536xi32, #tpu.memory_space<hbm>> -> memref<128xi32, #tpu.memory_space<hbm>>
        tpu.enqueue_dma source(%dma_start3A_371 : memref<128xi32, #tpu.memory_space<hbm>>) target(%arg10 : memref<128xi32, #tpu.memory_space<vmem>>) target_semaphore(%run_scoped3A : memref<!tpu.dma_semaphore, #tpu.memory_space<semaphore_mem>>)
        %dma_wait3A_372 = tpu.memref_slice %arg3[%add3A_182] : memref<321536xi32, #tpu.memory_space<hbm>> -> memref<128xi32, #tpu.memory_space<hbm>>
        %dma_wait3A_373 = tpu.memref_slice %arg3[%add3A_182] : memref<321536xi32, #tpu.memory_space<hbm>> -> memref<128xi32, #tpu.memory_space<hbm>>
        tpu.wait_dma2 semaphore(%run_scoped3A : memref<!tpu.dma_semaphore, #tpu.memory_space<semaphore_mem>>) src(%dma_wait3A_373 : memref<128xi32, #tpu.memory_space<hbm>>) dst(%arg10 : memref<128xi32, #tpu.memory_space<vmem>>)
        tpu.yield
      }) : () -> ()
      "tpu.region"() ({
        %run_scoped3A = tpu.sem_alloc : memref<!tpu.dma_semaphore, #tpu.memory_space<semaphore_mem>>
        %dma_start3A_370 = tpu.memref_slice %arg4[%add3A_182] : memref<321536xi32, #tpu.memory_space<hbm>> -> memref<128xi32, #tpu.memory_space<hbm>>
        %dma_start3A_371 = tpu.memref_slice %arg4[%add3A_182] : memref<321536xi32, #tpu.memory_space<hbm>> -> memref<128xi32, #tpu.memory_space<hbm>>
        tpu.enqueue_dma source(%dma_start3A_371 : memref<128xi32, #tpu.memory_space<hbm>>) target(%arg11 : memref<128xi32, #tpu.memory_space<vmem>>) target_semaphore(%run_scoped3A : memref<!tpu.dma_semaphore, #tpu.memory_space<semaphore_mem>>)
        %dma_wait3A_372 = tpu.memref_slice %arg4[%add3A_182] : memref<321536xi32, #tpu.memory_space<hbm>> -> memref<128xi32, #tpu.memory_space<hbm>>
        %dma_wait3A_373 = tpu.memref_slice %arg4[%add3A_182] : memref<321536xi32, #tpu.memory_space<hbm>> -> memref<128xi32, #tpu.memory_space<hbm>>
        tpu.wait_dma2 semaphore(%run_scoped3A : memref<!tpu.dma_semaphore, #tpu.memory_space<semaphore_mem>>) src(%dma_wait3A_373 : memref<128xi32, #tpu.memory_space<hbm>>) dst(%arg11 : memref<128xi32, #tpu.memory_space<vmem>>)
        tpu.yield
      }) : () -> ()
      "tpu.region"() ({
        %run_scoped3A = tpu.sem_alloc : memref<!tpu.dma_semaphore, #tpu.memory_space<semaphore_mem>>
        %dma_start3A_370 = tpu.memref_slice %arg5[%add3A_182] : memref<321536xi32, #tpu.memory_space<hbm>> -> memref<128xi32, #tpu.memory_space<hbm>>
        %dma_start3A_371 = tpu.memref_slice %arg5[%add3A_182] : memref<321536xi32, #tpu.memory_space<hbm>> -> memref<128xi32, #tpu.memory_space<hbm>>
        tpu.enqueue_dma source(%dma_start3A_371 : memref<128xi32, #tpu.memory_space<hbm>>) target(%arg12 : memref<128xi32, #tpu.memory_space<vmem>>) target_semaphore(%run_scoped3A : memref<!tpu.dma_semaphore, #tpu.memory_space<semaphore_mem>>)
        %dma_wait3A_372 = tpu.memref_slice %arg5[%add3A_182] : memref<321536xi32, #tpu.memory_space<hbm>> -> memref<128xi32, #tpu.memory_space<hbm>>
        %dma_wait3A_373 = tpu.memref_slice %arg5[%add3A_182] : memref<321536xi32, #tpu.memory_space<hbm>> -> memref<128xi32, #tpu.memory_space<hbm>>
        tpu.wait_dma2 semaphore(%run_scoped3A : memref<!tpu.dma_semaphore, #tpu.memory_space<semaphore_mem>>) src(%dma_wait3A_373 : memref<128xi32, #tpu.memory_space<hbm>>) dst(%arg12 : memref<128xi32, #tpu.memory_space<vmem>>)
        tpu.yield
      }) : () -> ()
      %get3A = arith.constant 0 : index
      %get3A_183 = tpu.vector_load %arg10[%get3A] {strides = array<i32>} : memref<128xi32, #tpu.memory_space<vmem>>, vector<16xi32>,
      %get3A_184 = vector.shape_cast %get3A_183 : vector<16xi32> to vector<16xi32>
      %get3A_185 = arith.constant 0 : index
      %get3A_186 = tpu.vector_load %arg11[%get3A_185] {strides = array<i32>} : memref<128xi32, #tpu.memory_space<vmem>>, vector<16xi32>,
      %get3A_187 = vector.shape_cast %get3A_186 : vector<16xi32> to vector<16xi32>
      %get3A_188 = arith.constant 0 : index
      %get3A_189 = tpu.vector_load %arg12[%get3A_188] {strides = array<i32>} : memref<128xi32, #tpu.memory_space<vmem>>, vector<16xi32>,
      %get3A_190 = vector.shape_cast %get3A_189 : vector<16xi32> to vector<16xi32>
      %add3A_191 = vector.broadcast %mul3A_127 : i32 to vector<16xi32>
      %add3A_192 = arith.addi %get3A_184, %add3A_191 : vector<16xi32>
      %swap3A_193 = arith.constant 0 : index
      %swap3A_194 = tpu.vector_load %arg13[%swap3A_193] {strides = array<i32>} : memref<128xi32, #tpu.memory_space<vmem>>, vector<16xi32>,
      %swap3A_195 = vector.shape_cast %swap3A_194 : vector<16xi32> to vector<16xi32>
      %swap3A_196 = vector.shape_cast %add3A_192 : vector<16xi32> to vector<16xi32>
      tpu.vector_store %arg13[%swap3A_193], %swap3A_196 {strides = array<i32>} : memref<128xi32, #tpu.memory_space<vmem>>, vector<16xi32>,
      %mul3A_197 = arith.constant 10240 : i32
      %mul3A_198 = vector.broadcast %mul3A_197 : i32 to vector<16xi32>
      %mul3A_199 = arith.muli %get3A_190, %mul3A_198 : vector<16xi32>
      %add3A_200 = arith.addi %mul3A_199, %get3A_187 : vector<16xi32>
      %swap3A_201 = arith.constant 0 : index
      %swap3A_202 = tpu.vector_load %arg14[%swap3A_201] {strides = array<i32>} : memref<128xi32, #tpu.memory_space<vmem>>, vector<16xi32>,
      %swap3A_203 = vector.shape_cast %swap3A_202 : vector<16xi32> to vector<16xi32>
      %swap3A_204 = vector.shape_cast %add3A_200 : vector<16xi32> to vector<16xi32>
      tpu.vector_store %arg14[%swap3A_201], %swap3A_204 {strides = array<i32>} : memref<128xi32, #tpu.memory_space<vmem>>, vector<16xi32>,
      %get3A_205 = arith.constant 16 : index
      %get3A_206 = tpu.vector_load %arg10[%get3A_205] {strides = array<i32>} : memref<128xi32, #tpu.memory_space<vmem>>, vector<16xi32>,
      %get3A_207 = vector.shape_cast %get3A_206 : vector<16xi32> to vector<16xi32>
      %get3A_208 = arith.constant 16 : index
      %get3A_209 = tpu.vector_load %arg11[%get3A_208] {strides = array<i32>} : memref<128xi32, #tpu.memory_space<vmem>>, vector<16xi32>,
      %get3A_210 = vector.shape_cast %get3A_209 : vector<16xi32> to vector<16xi32>
      %get3A_211 = arith.constant 16 : index
      %get3A_212 = tpu.vector_load %arg12[%get3A_211] {strides = array<i32>} : memref<128xi32, #tpu.memory_space<vmem>>, vector<16xi32>,
      %get3A_213 = vector.shape_cast %get3A_212 : vector<16xi32> to vector<16xi32>
      %add3A_214 = vector.broadcast %mul3A_127 : i32 to vector<16xi32>
      %add3A_215 = arith.addi %get3A_207, %add3A_214 : vector<16xi32>
      %swap3A_216 = arith.constant 16 : index
      %swap3A_217 = tpu.vector_load %arg13[%swap3A_216] {strides = array<i32>} : memref<128xi32, #tpu.memory_space<vmem>>, vector<16xi32>,
      %swap3A_218 = vector.shape_cast %swap3A_217 : vector<16xi32> to vector<16xi32>
      %swap3A_219 = vector.shape_cast %add3A_215 : vector<16xi32> to vector<16xi32>
      tpu.vector_store %arg13[%swap3A_216], %swap3A_219 {strides = array<i32>} : memref<128xi32, #tpu.memory_space<vmem>>, vector<16xi32>,
      %mul3A_220 = arith.constant 10240 : i32
      %mul3A_221 = vector.broadcast %mul3A_220 : i32 to vector<16xi32>
      %mul3A_222 = arith.muli %get3A_213, %mul3A_221 : vector<16xi32>
      %add3A_223 = arith.addi %mul3A_222, %get3A_210 : vector<16xi32>
      %swap3A_224 = arith.constant 16 : index
      %swap3A_225 = tpu.vector_load %arg14[%swap3A_224] {strides = array<i32>} : memref<128xi32, #tpu.memory_space<vmem>>, vector<16xi32>,
      %swap3A_226 = vector.shape_cast %swap3A_225 : vector<16xi32> to vector<16xi32>
      %swap3A_227 = vector.shape_cast %add3A_223 : vector<16xi32> to vector<16xi32>
      tpu.vector_store %arg14[%swap3A_224], %swap3A_227 {strides = array<i32>} : memref<128xi32, #tpu.memory_space<vmem>>, vector<16xi32>,
      %get3A_228 = arith.constant 32 : index
      %get3A_229 = tpu.vector_load %arg10[%get3A_228] {strides = array<i32>} : memref<128xi32, #tpu.memory_space<vmem>>, vector<16xi32>,
      %get3A_230 = vector.shape_cast %get3A_229 : vector<16xi32> to vector<16xi32>
      %get3A_231 = arith.constant 32 : index
      %get3A_232 = tpu.vector_load %arg11[%get3A_231] {strides = array<i32>} : memref<128xi32, #tpu.memory_space<vmem>>, vector<16xi32>,
      %get3A_233 = vector.shape_cast %get3A_232 : vector<16xi32> to vector<16xi32>
      %get3A_234 = arith.constant 32 : index
      %get3A_235 = tpu.vector_load %arg12[%get3A_234] {strides = array<i32>} : memref<128xi32, #tpu.memory_space<vmem>>, vector<16xi32>,
      %get3A_236 = vector.shape_cast %get3A_235 : vector<16xi32> to vector<16xi32>
      %add3A_237 = vector.broadcast %mul3A_127 : i32 to vector<16xi32>
      %add3A_238 = arith.addi %get3A_230, %add3A_237 : vector<16xi32>
      %swap3A_239 = arith.constant 32 : index
      %swap3A_240 = tpu.vector_load %arg13[%swap3A_239] {strides = array<i32>} : memref<128xi32, #tpu.memory_space<vmem>>, vector<16xi32>,
      %swap3A_241 = vector.shape_cast %swap3A_240 : vector<16xi32> to vector<16xi32>
      %swap3A_242 = vector.shape_cast %add3A_238 : vector<16xi32> to vector<16xi32>
      tpu.vector_store %arg13[%swap3A_239], %swap3A_242 {strides = array<i32>} : memref<128xi32, #tpu.memory_space<vmem>>, vector<16xi32>,
      %mul3A_243 = arith.constant 10240 : i32
      %mul3A_244 = vector.broadcast %mul3A_243 : i32 to vector<16xi32>
      %mul3A_245 = arith.muli %get3A_236, %mul3A_244 : vector<16xi32>
      %add3A_246 = arith.addi %mul3A_245, %get3A_233 : vector<16xi32>
      %swap3A_247 = arith.constant 32 : index
      %swap3A_248 = tpu.vector_load %arg14[%swap3A_247] {strides = array<i32>} : memref<128xi32, #tpu.memory_space<vmem>>, vector<16xi32>,
      %swap3A_249 = vector.shape_cast %swap3A_248 : vector<16xi32> to vector<16xi32>
      %swap3A_250 = vector.shape_cast %add3A_246 : vector<16xi32> to vector<16xi32>
      tpu.vector_store %arg14[%swap3A_247], %swap3A_250 {strides = array<i32>} : memref<128xi32, #tpu.memory_space<vmem>>, vector<16xi32>,
      %get3A_251 = arith.constant 48 : index
      %get3A_252 = tpu.vector_load %arg10[%get3A_251] {strides = array<i32>} : memref<128xi32, #tpu.memory_space<vmem>>, vector<16xi32>,
      %get3A_253 = vector.shape_cast %get3A_252 : vector<16xi32> to vector<16xi32>
      %get3A_254 = arith.constant 48 : index
      %get3A_255 = tpu.vector_load %arg11[%get3A_254] {strides = array<i32>} : memref<128xi32, #tpu.memory_space<vmem>>, vector<16xi32>,
      %get3A_256 = vector.shape_cast %get3A_255 : vector<16xi32> to vector<16xi32>
      %get3A_257 = arith.constant 48 : index
      %get3A_258 = tpu.vector_load %arg12[%get3A_257] {strides = array<i32>} : memref<128xi32, #tpu.memory_space<vmem>>, vector<16xi32>,
      %get3A_259 = vector.shape_cast %get3A_258 : vector<16xi32> to vector<16xi32>
      %add3A_260 = vector.broadcast %mul3A_127 : i32 to vector<16xi32>
      %add3A_261 = arith.addi %get3A_253, %add3A_260 : vector<16xi32>
      %swap3A_262 = arith.constant 48 : index
      %swap3A_263 = tpu.vector_load %arg13[%swap3A_262] {strides = array<i32>} : memref<128xi32, #tpu.memory_space<vmem>>, vector<16xi32>,
      %swap3A_264 = vector.shape_cast %swap3A_263 : vector<16xi32> to vector<16xi32>
      %swap3A_265 = vector.shape_cast %add3A_261 : vector<16xi32> to vector<16xi32>
      tpu.vector_store %arg13[%swap3A_262], %swap3A_265 {strides = array<i32>} : memref<128xi32, #tpu.memory_space<vmem>>, vector<16xi32>,
      %mul3A_266 = arith.constant 10240 : i32
      %mul3A_267 = vector.broadcast %mul3A_266 : i32 to vector<16xi32>
      %mul3A_268 = arith.muli %get3A_259, %mul3A_267 : vector<16xi32>
      %add3A_269 = arith.addi %mul3A_268, %get3A_256 : vector<16xi32>
      %swap3A_270 = arith.constant 48 : index
      %swap3A_271 = tpu.vector_load %arg14[%swap3A_270] {strides = array<i32>} : memref<128xi32, #tpu.memory_space<vmem>>, vector<16xi32>,
      %swap3A_272 = vector.shape_cast %swap3A_271 : vector<16xi32> to vector<16xi32>
      %swap3A_273 = vector.shape_cast %add3A_269 : vector<16xi32> to vector<16xi32>
      tpu.vector_store %arg14[%swap3A_270], %swap3A_273 {strides = array<i32>} : memref<128xi32, #tpu.memory_space<vmem>>, vector<16xi32>,
      %get3A_274 = arith.constant 64 : index
      %get3A_275 = tpu.vector_load %arg10[%get3A_274] {strides = array<i32>} : memref<128xi32, #tpu.memory_space<vmem>>, vector<16xi32>,
      %get3A_276 = vector.shape_cast %get3A_275 : vector<16xi32> to vector<16xi32>
      %get3A_277 = arith.constant 64 : index
      %get3A_278 = tpu.vector_load %arg11[%get3A_277] {strides = array<i32>} : memref<128xi32, #tpu.memory_space<vmem>>, vector<16xi32>,
      %get3A_279 = vector.shape_cast %get3A_278 : vector<16xi32> to vector<16xi32>
      %get3A_280 = arith.constant 64 : index
      %get3A_281 = tpu.vector_load %arg12[%get3A_280] {strides = array<i32>} : memref<128xi32, #tpu.memory_space<vmem>>, vector<16xi32>,
      %get3A_282 = vector.shape_cast %get3A_281 : vector<16xi32> to vector<16xi32>
      %add3A_283 = vector.broadcast %mul3A_127 : i32 to vector<16xi32>
      %add3A_284 = arith.addi %get3A_276, %add3A_283 : vector<16xi32>
      %swap3A_285 = arith.constant 64 : index
      %swap3A_286 = tpu.vector_load %arg13[%swap3A_285] {strides = array<i32>} : memref<128xi32, #tpu.memory_space<vmem>>, vector<16xi32>,
      %swap3A_287 = vector.shape_cast %swap3A_286 : vector<16xi32> to vector<16xi32>
      %swap3A_288 = vector.shape_cast %add3A_284 : vector<16xi32> to vector<16xi32>
      tpu.vector_store %arg13[%swap3A_285], %swap3A_288 {strides = array<i32>} : memref<128xi32, #tpu.memory_space<vmem>>, vector<16xi32>,
      %mul3A_289 = arith.constant 10240 : i32
      %mul3A_290 = vector.broadcast %mul3A_289 : i32 to vector<16xi32>
      %mul3A_291 = arith.muli %get3A_282, %mul3A_290 : vector<16xi32>
      %add3A_292 = arith.addi %mul3A_291, %get3A_279 : vector<16xi32>
      %swap3A_293 = arith.constant 64 : index
      %swap3A_294 = tpu.vector_load %arg14[%swap3A_293] {strides = array<i32>} : memref<128xi32, #tpu.memory_space<vmem>>, vector<16xi32>,
      %swap3A_295 = vector.shape_cast %swap3A_294 : vector<16xi32> to vector<16xi32>
      %swap3A_296 = vector.shape_cast %add3A_292 : vector<16xi32> to vector<16xi32>
      tpu.vector_store %arg14[%swap3A_293], %swap3A_296 {strides = array<i32>} : memref<128xi32, #tpu.memory_space<vmem>>, vector<16xi32>,
      %get3A_297 = arith.constant 80 : index
      %get3A_298 = tpu.vector_load %arg10[%get3A_297] {strides = array<i32>} : memref<128xi32, #tpu.memory_space<vmem>>, vector<16xi32>,
      %get3A_299 = vector.shape_cast %get3A_298 : vector<16xi32> to vector<16xi32>
      %get3A_300 = arith.constant 80 : index
      %get3A_301 = tpu.vector_load %arg11[%get3A_300] {strides = array<i32>} : memref<128xi32, #tpu.memory_space<vmem>>, vector<16xi32>,
      %get3A_302 = vector.shape_cast %get3A_301 : vector<16xi32> to vector<16xi32>
      %get3A_303 = arith.constant 80 : index
      %get3A_304 = tpu.vector_load %arg12[%get3A_303] {strides = array<i32>} : memref<128xi32, #tpu.memory_space<vmem>>, vector<16xi32>,
      %get3A_305 = vector.shape_cast %get3A_304 : vector<16xi32> to vector<16xi32>
      %add3A_306 = vector.broadcast %mul3A_127 : i32 to vector<16xi32>
      %add3A_307 = arith.addi %get3A_299, %add3A_306 : vector<16xi32>
      %swap3A_308 = arith.constant 80 : index
      %swap3A_309 = tpu.vector_load %arg13[%swap3A_308] {strides = array<i32>} : memref<128xi32, #tpu.memory_space<vmem>>, vector<16xi32>,
      %swap3A_310 = vector.shape_cast %swap3A_309 : vector<16xi32> to vector<16xi32>
      %swap3A_311 = vector.shape_cast %add3A_307 : vector<16xi32> to vector<16xi32>
      tpu.vector_store %arg13[%swap3A_308], %swap3A_311 {strides = array<i32>} : memref<128xi32, #tpu.memory_space<vmem>>, vector<16xi32>,
      %mul3A_312 = arith.constant 10240 : i32
      %mul3A_313 = vector.broadcast %mul3A_312 : i32 to vector<16xi32>
      %mul3A_314 = arith.muli %get3A_305, %mul3A_313 : vector<16xi32>
      %add3A_315 = arith.addi %mul3A_314, %get3A_302 : vector<16xi32>
      %swap3A_316 = arith.constant 80 : index
      %swap3A_317 = tpu.vector_load %arg14[%swap3A_316] {strides = array<i32>} : memref<128xi32, #tpu.memory_space<vmem>>, vector<16xi32>,
      %swap3A_318 = vector.shape_cast %swap3A_317 : vector<16xi32> to vector<16xi32>
      %swap3A_319 = vector.shape_cast %add3A_315 : vector<16xi32> to vector<16xi32>
      tpu.vector_store %arg14[%swap3A_316], %swap3A_319 {strides = array<i32>} : memref<128xi32, #tpu.memory_space<vmem>>, vector<16xi32>,
      %get3A_320 = arith.constant 96 : index
      %get3A_321 = tpu.vector_load %arg10[%get3A_320] {strides = array<i32>} : memref<128xi32, #tpu.memory_space<vmem>>, vector<16xi32>,
      %get3A_322 = vector.shape_cast %get3A_321 : vector<16xi32> to vector<16xi32>
      %get3A_323 = arith.constant 96 : index
      %get3A_324 = tpu.vector_load %arg11[%get3A_323] {strides = array<i32>} : memref<128xi32, #tpu.memory_space<vmem>>, vector<16xi32>,
      %get3A_325 = vector.shape_cast %get3A_324 : vector<16xi32> to vector<16xi32>
      %get3A_326 = arith.constant 96 : index
      %get3A_327 = tpu.vector_load %arg12[%get3A_326] {strides = array<i32>} : memref<128xi32, #tpu.memory_space<vmem>>, vector<16xi32>,
      %get3A_328 = vector.shape_cast %get3A_327 : vector<16xi32> to vector<16xi32>
      %add3A_329 = vector.broadcast %mul3A_127 : i32 to vector<16xi32>
      %add3A_330 = arith.addi %get3A_322, %add3A_329 : vector<16xi32>
      %swap3A_331 = arith.constant 96 : index
      %swap3A_332 = tpu.vector_load %arg13[%swap3A_331] {strides = array<i32>} : memref<128xi32, #tpu.memory_space<vmem>>, vector<16xi32>,
      %swap3A_333 = vector.shape_cast %swap3A_332 : vector<16xi32> to vector<16xi32>
      %swap3A_334 = vector.shape_cast %add3A_330 : vector<16xi32> to vector<16xi32>
      tpu.vector_store %arg13[%swap3A_331], %swap3A_334 {strides = array<i32>} : memref<128xi32, #tpu.memory_space<vmem>>, vector<16xi32>,
      %mul3A_335 = arith.constant 10240 : i32
      %mul3A_336 = vector.broadcast %mul3A_335 : i32 to vector<16xi32>
      %mul3A_337 = arith.muli %get3A_328, %mul3A_336 : vector<16xi32>
      %add3A_338 = arith.addi %mul3A_337, %get3A_325 : vector<16xi32>
      %swap3A_339 = arith.constant 96 : index
      %swap3A_340 = tpu.vector_load %arg14[%swap3A_339] {strides = array<i32>} : memref<128xi32, #tpu.memory_space<vmem>>, vector<16xi32>,
      %swap3A_341 = vector.shape_cast %swap3A_340 : vector<16xi32> to vector<16xi32>
      %swap3A_342 = vector.shape_cast %add3A_338 : vector<16xi32> to vector<16xi32>
      tpu.vector_store %arg14[%swap3A_339], %swap3A_342 {strides = array<i32>} : memref<128xi32, #tpu.memory_space<vmem>>, vector<16xi32>,
      %get3A_343 = arith.constant 112 : index
      %get3A_344 = tpu.vector_load %arg10[%get3A_343] {strides = array<i32>} : memref<128xi32, #tpu.memory_space<vmem>>, vector<16xi32>,
      %get3A_345 = vector.shape_cast %get3A_344 : vector<16xi32> to vector<16xi32>
      %get3A_346 = arith.constant 112 : index
      %get3A_347 = tpu.vector_load %arg11[%get3A_346] {strides = array<i32>} : memref<128xi32, #tpu.memory_space<vmem>>, vector<16xi32>,
      %get3A_348 = vector.shape_cast %get3A_347 : vector<16xi32> to vector<16xi32>
      %get3A_349 = arith.constant 112 : index
      %get3A_350 = tpu.vector_load %arg12[%get3A_349] {strides = array<i32>} : memref<128xi32, #tpu.memory_space<vmem>>, vector<16xi32>,
      %get3A_351 = vector.shape_cast %get3A_350 : vector<16xi32> to vector<16xi32>
      %add3A_352 = vector.broadcast %mul3A_127 : i32 to vector<16xi32>
      %add3A_353 = arith.addi %get3A_345, %add3A_352 : vector<16xi32>
      %swap3A_354 = arith.constant 112 : index
      %swap3A_355 = tpu.vector_load %arg13[%swap3A_354] {strides = array<i32>} : memref<128xi32, #tpu.memory_space<vmem>>, vector<16xi32>,
      %swap3A_356 = vector.shape_cast %swap3A_355 : vector<16xi32> to vector<16xi32>
      %swap3A_357 = vector.shape_cast %add3A_353 : vector<16xi32> to vector<16xi32>
      tpu.vector_store %arg13[%swap3A_354], %swap3A_357 {strides = array<i32>} : memref<128xi32, #tpu.memory_space<vmem>>, vector<16xi32>,
      %mul3A_358 = arith.constant 10240 : i32
      %mul3A_359 = vector.broadcast %mul3A_358 : i32 to vector<16xi32>
      %mul3A_360 = arith.muli %get3A_351, %mul3A_359 : vector<16xi32>
      %add3A_361 = arith.addi %mul3A_360, %get3A_348 : vector<16xi32>
      %swap3A_362 = arith.constant 112 : index
      %swap3A_363 = tpu.vector_load %arg14[%swap3A_362] {strides = array<i32>} : memref<128xi32, #tpu.memory_space<vmem>>, vector<16xi32>,
      %swap3A_364 = vector.shape_cast %swap3A_363 : vector<16xi32> to vector<16xi32>
      %swap3A_365 = vector.shape_cast %add3A_361 : vector<16xi32> to vector<16xi32>
      tpu.vector_store %arg14[%swap3A_362], %swap3A_365 {strides = array<i32>} : memref<128xi32, #tpu.memory_space<vmem>>, vector<16xi32>,
      %dma_start3A = arith.constant 0 : i32
      %dma_start3A_366 = arith.constant 0 : i32
      %dma_start3A_367 = tpu.memref_slice %arg2[%dma_start3A, %dma_start3A_366] : memref<40960x32xf32, #tpu.memory_space<hbm>> -> memref<40960x32xf32, #tpu.memory_space<hbm>>
      tpu.enqueue_indirect_dma source(%dma_start3A_367 : memref<40960x32xf32, #tpu.memory_space<hbm>>) target(%arg16 : memref<128x32xf32, #tpu.memory_space<vmem>>) offsets(%arg13 : memref<128xi32, #tpu.memory_space<vmem>>) semaphore(%arg22 : memref<!tpu.dma_semaphore, #tpu.memory_space<semaphore_mem>>)
      %dma_wait3A = arith.constant 0 : i32
      %dma_wait3A_368 = arith.constant 0 : i32
      %dma_wait3A_369 = tpu.memref_slice %arg2[%dma_wait3A, %dma_wait3A_368] : memref<40960x32xf32, #tpu.memory_space<hbm>> -> memref<40960x32xf32, #tpu.memory_space<hbm>>
      tpu.wait_indirect_dma semaphore(%arg22 : memref<!tpu.dma_semaphore, #tpu.memory_space<semaphore_mem>>) src(%dma_wait3A_369 : memref<40960x32xf32, #tpu.memory_space<hbm>>) dst(%arg16 : memref<128x32xf32, #tpu.memory_space<vmem>>)
      "tpu.region"() ({
        %run_scoped3A = tpu.sem_alloc : memref<!tpu.dma_semaphore, #tpu.memory_space<semaphore_mem>>
        %dma_start3A_370 = arith.constant 0 : i32
        %dma_start3A_371 = arith.constant 0 : i32
        %dma_start3A_372 = tpu.memref_slice %arg8[%dma_start3A_370, %dma_start3A_371] : memref<40960x32xf32, #tpu.memory_space<vmem_shared>> -> memref<40960x32xf32, #tpu.memory_space<vmem_shared>>
        tpu.enqueue_indirect_dma source(%arg16 : memref<128x32xf32, #tpu.memory_space<vmem>>) target(%dma_start3A_372 : memref<40960x32xf32, #tpu.memory_space<vmem_shared>>) offsets(%arg14 : memref<128xi32, #tpu.memory_space<vmem>>) semaphore(%run_scoped3A : memref<!tpu.dma_semaphore, #tpu.memory_space<semaphore_mem>>) {add = true}
        %dma_wait3A_373 = arith.constant 0 : i32
        %dma_wait3A_374 = arith.constant 0 : i32
        %dma_wait3A_375 = tpu.memref_slice %arg8[%dma_wait3A_373, %dma_wait3A_374] : memref<40960x32xf32, #tpu.memory_space<vmem_shared>> -> memref<40960x32xf32, #tpu.memory_space<vmem_shared>>
        tpu.wait_indirect_dma semaphore(%run_scoped3A : memref<!tpu.dma_semaphore, #tpu.memory_space<semaphore_mem>>) src(%arg16 : memref<128x32xf32, #tpu.memory_space<vmem>>) dst(%dma_wait3A_375 : memref<40960x32xf32, #tpu.memory_space<vmem_shared>>)
        tpu.yield
      }) : () -> ()
    }
    %scan3A_154 = arith.constant 157 : i32
    %barrier3A_155 = arith.constant 0 : index
    tpu.barrier barrier_id(%barrier3A_155)
    %mul3A_156 = arith.constant 2560 : i32
    %mul3A_157 = arith.muli %arg1, %mul3A_156 : i32
    %add3A_158 = arith.constant 0 : i32
    %add3A_159 = arith.addi %mul3A_157, %add3A_158 : i32
    "tpu.region"() ({
      %run_scoped3A = tpu.sem_alloc : memref<!tpu.dma_semaphore, #tpu.memory_space<semaphore_mem>>
      %dma_start3A = arith.constant 0 : i32
      %dma_start3A_177 = tpu.memref_slice %arg8[%add3A_159, %dma_start3A] : memref<40960x32xf32, #tpu.memory_space<vmem_shared>> -> memref<512x32xf32, #tpu.memory_space<vmem_shared>>
      %dma_start3A_178 = arith.constant 0 : i32
      %dma_start3A_179 = tpu.memref_slice %arg8[%add3A_159, %dma_start3A_178] : memref<40960x32xf32, #tpu.memory_space<vmem_shared>> -> memref<512x32xf32, #tpu.memory_space<vmem_shared>>
      tpu.enqueue_dma source(%dma_start3A_179 : memref<512x32xf32, #tpu.memory_space<vmem_shared>>) target(%arg20 : memref<512x32xf32, #tpu.memory_space<vmem>>) target_semaphore(%run_scoped3A : memref<!tpu.dma_semaphore, #tpu.memory_space<semaphore_mem>>)
      %dma_wait3A = arith.constant 0 : i32
      %dma_wait3A_180 = tpu.memref_slice %arg8[%add3A_159, %dma_wait3A] : memref<40960x32xf32, #tpu.memory_space<vmem_shared>> -> memref<512x32xf32, #tpu.memory_space<vmem_shared>>
      %dma_wait3A_181 = arith.constant 0 : i32
      %dma_wait3A_182 = tpu.memref_slice %arg8[%add3A_159, %dma_wait3A_181] : memref<40960x32xf32, #tpu.memory_space<vmem_shared>> -> memref<512x32xf32, #tpu.memory_space<vmem_shared>>
      tpu.wait_dma2 semaphore(%run_scoped3A : memref<!tpu.dma_semaphore, #tpu.memory_space<semaphore_mem>>) src(%dma_wait3A_182 : memref<512x32xf32, #tpu.memory_space<vmem_shared>>) dst(%arg20 : memref<512x32xf32, #tpu.memory_space<vmem>>)
      tpu.yield
    }) : () -> ()
    "tpu.region"() ({
      %run_scoped3A = tpu.sem_alloc : memref<!tpu.dma_semaphore, #tpu.memory_space<semaphore_mem>>
      %dma_start3A = arith.constant 0 : i32
      %dma_start3A_177 = tpu.memref_slice %arg6[%add3A_125, %add3A_159, %dma_start3A] : memref<4x40960x32xf32, #tpu.memory_space<hbm>> -> memref<1x512x32xf32, #tpu.memory_space<hbm>>
      %dma_start3A_178 = tpu.memref_squeeze %dma_start3A_177 : memref<1x512x32xf32, #tpu.memory_space<hbm>> -> memref<512x32xf32, #tpu.memory_space<hbm>>
      %dma_start3A_179 = arith.constant 0 : i32
      %dma_start3A_180 = tpu.memref_slice %arg6[%add3A_125, %add3A_159, %dma_start3A_179] : memref<4x40960x32xf32, #tpu.memory_space<hbm>> -> memref<1x512x32xf32, #tpu.memory_space<hbm>>
      %dma_start3A_181 = tpu.memref_squeeze %dma_start3A_180 : memref<1x512x32xf32, #tpu.memory_space<hbm>> -> memref<512x32xf32, #tpu.memory_space<hbm>>
      tpu.enqueue_dma source(%arg20 : memref<512x32xf32, #tpu.memory_space<vmem>>) target(%dma_start3A_181 : memref<512x32xf32, #tpu.memory_space<hbm>>) target_semaphore(%run_scoped3A : memref<!tpu.dma_semaphore, #tpu.memory_space<semaphore_mem>>)
      %dma_wait3A = arith.constant 0 : i32
      %dma_wait3A_182 = tpu.memref_slice %arg6[%add3A_125, %add3A_159, %dma_wait3A] : memref<4x40960x32xf32, #tpu.memory_space<hbm>> -> memref<1x512x32xf32, #tpu.memory_space<hbm>>
      %dma_wait3A_183 = tpu.memref_squeeze %dma_wait3A_182 : memref<1x512x32xf32, #tpu.memory_space<hbm>> -> memref<512x32xf32, #tpu.memory_space<hbm>>
      %dma_wait3A_184 = arith.constant 0 : i32
      %dma_wait3A_185 = tpu.memref_slice %arg6[%add3A_125, %add3A_159, %dma_wait3A_184] : memref<4x40960x32xf32, #tpu.memory_space<hbm>> -> memref<1x512x32xf32, #tpu.memory_space<hbm>>
      %dma_wait3A_186 = tpu.memref_squeeze %dma_wait3A_185 : memref<1x512x32xf32, #tpu.memory_space<hbm>> -> memref<512x32xf32, #tpu.memory_space<hbm>>
      tpu.wait_dma2 semaphore(%run_scoped3A : memref<!tpu.dma_semaphore, #tpu.memory_space<semaphore_mem>>) src(%arg20 : memref<512x32xf32, #tpu.memory_space<vmem>>) dst(%dma_wait3A_186 : memref<512x32xf32, #tpu.memory_space<hbm>>)
      tpu.yield
    }) : () -> ()
    %mul3A_160 = arith.constant 2560 : i32
    %mul3A_161 = arith.muli %arg1, %mul3A_160 : i32
    %add3A_162 = arith.constant 512 : i32
    %add3A_163 = arith.addi %mul3A_161, %add3A_162 : i32
    "tpu.region"() ({
      %run_scoped3A = tpu.sem_alloc : memref<!tpu.dma_semaphore, #tpu.memory_space<semaphore_mem>>
      %dma_start3A = arith.constant 0 : i32
      %dma_start3A_177 = tpu.memref_slice %arg8[%add3A_163, %dma_start3A] : memref<40960x32xf32, #tpu.memory_space<vmem_shared>> -> memref<512x32xf32, #tpu.memory_space<vmem_shared>>
      %dma_start3A_178 = arith.constant 0 : i32
      %dma_start3A_179 = tpu.memref_slice %arg8[%add3A_163, %dma_start3A_178] : memref<40960x32xf32, #tpu.memory_space<vmem_shared>> -> memref<512x32xf32, #tpu.memory_space<vmem_shared>>
      tpu.enqueue_dma source(%dma_start3A_179 : memref<512x32xf32, #tpu.memory_space<vmem_shared>>) target(%arg20 : memref<512x32xf32, #tpu.memory_space<vmem>>) target_semaphore(%run_scoped3A : memref<!tpu.dma_semaphore, #tpu.memory_space<semaphore_mem>>)
      %dma_wait3A = arith.constant 0 : i32
      %dma_wait3A_180 = tpu.memref_slice %arg8[%add3A_163, %dma_wait3A] : memref<40960x32xf32, #tpu.memory_space<vmem_shared>> -> memref<512x32xf32, #tpu.memory_space<vmem_shared>>
      %dma_wait3A_181 = arith.constant 0 : i32
      %dma_wait3A_182 = tpu.memref_slice %arg8[%add3A_163, %dma_wait3A_181] : memref<40960x32xf32, #tpu.memory_space<vmem_shared>> -> memref<512x32xf32, #tpu.memory_space<vmem_shared>>
      tpu.wait_dma2 semaphore(%run_scoped3A : memref<!tpu.dma_semaphore, #tpu.memory_space<semaphore_mem>>) src(%dma_wait3A_182 : memref<512x32xf32, #tpu.memory_space<vmem_shared>>) dst(%arg20 : memref<512x32xf32, #tpu.memory_space<vmem>>)
      tpu.yield
    }) : () -> ()
    "tpu.region"() ({
      %run_scoped3A = tpu.sem_alloc : memref<!tpu.dma_semaphore, #tpu.memory_space<semaphore_mem>>
      %dma_start3A = arith.constant 0 : i32
      %dma_start3A_177 = tpu.memref_slice %arg6[%add3A_125, %add3A_163, %dma_start3A] : memref<4x40960x32xf32, #tpu.memory_space<hbm>> -> memref<1x512x32xf32, #tpu.memory_space<hbm>>
      %dma_start3A_178 = tpu.memref_squeeze %dma_start3A_177 : memref<1x512x32xf32, #tpu.memory_space<hbm>> -> memref<512x32xf32, #tpu.memory_space<hbm>>
      %dma_start3A_179 = arith.constant 0 : i32
      %dma_start3A_180 = tpu.memref_slice %arg6[%add3A_125, %add3A_163, %dma_start3A_179] : memref<4x40960x32xf32, #tpu.memory_space<hbm>> -> memref<1x512x32xf32, #tpu.memory_space<hbm>>
      %dma_start3A_181 = tpu.memref_squeeze %dma_start3A_180 : memref<1x512x32xf32, #tpu.memory_space<hbm>> -> memref<512x32xf32, #tpu.memory_space<hbm>>
      tpu.enqueue_dma source(%arg20 : memref<512x32xf32, #tpu.memory_space<vmem>>) target(%dma_start3A_181 : memref<512x32xf32, #tpu.memory_space<hbm>>) target_semaphore(%run_scoped3A : memref<!tpu.dma_semaphore, #tpu.memory_space<semaphore_mem>>)
      %dma_wait3A = arith.constant 0 : i32
      %dma_wait3A_182 = tpu.memref_slice %arg6[%add3A_125, %add3A_163, %dma_wait3A] : memref<4x40960x32xf32, #tpu.memory_space<hbm>> -> memref<1x512x32xf32, #tpu.memory_space<hbm>>
      %dma_wait3A_183 = tpu.memref_squeeze %dma_wait3A_182 : memref<1x512x32xf32, #tpu.memory_space<hbm>> -> memref<512x32xf32, #tpu.memory_space<hbm>>
      %dma_wait3A_184 = arith.constant 0 : i32
      %dma_wait3A_185 = tpu.memref_slice %arg6[%add3A_125, %add3A_163, %dma_wait3A_184] : memref<4x40960x32xf32, #tpu.memory_space<hbm>> -> memref<1x512x32xf32, #tpu.memory_space<hbm>>
      %dma_wait3A_186 = tpu.memref_squeeze %dma_wait3A_185 : memref<1x512x32xf32, #tpu.memory_space<hbm>> -> memref<512x32xf32, #tpu.memory_space<hbm>>
      tpu.wait_dma2 semaphore(%run_scoped3A : memref<!tpu.dma_semaphore, #tpu.memory_space<semaphore_mem>>) src(%arg20 : memref<512x32xf32, #tpu.memory_space<vmem>>) dst(%dma_wait3A_186 : memref<512x32xf32, #tpu.memory_space<hbm>>)
      tpu.yield
    }) : () -> ()
    %mul3A_164 = arith.constant 2560 : i32
    %mul3A_165 = arith.muli %arg1, %mul3A_164 : i32
    %add3A_166 = arith.constant 1024 : i32
    %add3A_167 = arith.addi %mul3A_165, %add3A_166 : i32
    "tpu.region"() ({
      %run_scoped3A = tpu.sem_alloc : memref<!tpu.dma_semaphore, #tpu.memory_space<semaphore_mem>>
      %dma_start3A = arith.constant 0 : i32
      %dma_start3A_177 = tpu.memref_slice %arg8[%add3A_167, %dma_start3A] : memref<40960x32xf32, #tpu.memory_space<vmem_shared>> -> memref<512x32xf32, #tpu.memory_space<vmem_shared>>
      %dma_start3A_178 = arith.constant 0 : i32
      %dma_start3A_179 = tpu.memref_slice %arg8[%add3A_167, %dma_start3A_178] : memref<40960x32xf32, #tpu.memory_space<vmem_shared>> -> memref<512x32xf32, #tpu.memory_space<vmem_shared>>
      tpu.enqueue_dma source(%dma_start3A_179 : memref<512x32xf32, #tpu.memory_space<vmem_shared>>) target(%arg20 : memref<512x32xf32, #tpu.memory_space<vmem>>) target_semaphore(%run_scoped3A : memref<!tpu.dma_semaphore, #tpu.memory_space<semaphore_mem>>)
      %dma_wait3A = arith.constant 0 : i32
      %dma_wait3A_180 = tpu.memref_slice %arg8[%add3A_167, %dma_wait3A] : memref<40960x32xf32, #tpu.memory_space<vmem_shared>> -> memref<512x32xf32, #tpu.memory_space<vmem_shared>>
      %dma_wait3A_181 = arith.constant 0 : i32
      %dma_wait3A_182 = tpu.memref_slice %arg8[%add3A_167, %dma_wait3A_181] : memref<40960x32xf32, #tpu.memory_space<vmem_shared>> -> memref<512x32xf32, #tpu.memory_space<vmem_shared>>
      tpu.wait_dma2 semaphore(%run_scoped3A : memref<!tpu.dma_semaphore, #tpu.memory_space<semaphore_mem>>) src(%dma_wait3A_182 : memref<512x32xf32, #tpu.memory_space<vmem_shared>>) dst(%arg20 : memref<512x32xf32, #tpu.memory_space<vmem>>)
      tpu.yield
    }) : () -> ()
    "tpu.region"() ({
      %run_scoped3A = tpu.sem_alloc : memref<!tpu.dma_semaphore, #tpu.memory_space<semaphore_mem>>
      %dma_start3A = arith.constant 0 : i32
      %dma_start3A_177 = tpu.memref_slice %arg6[%add3A_125, %add3A_167, %dma_start3A] : memref<4x40960x32xf32, #tpu.memory_space<hbm>> -> memref<1x512x32xf32, #tpu.memory_space<hbm>>
      %dma_start3A_178 = tpu.memref_squeeze %dma_start3A_177 : memref<1x512x32xf32, #tpu.memory_space<hbm>> -> memref<512x32xf32, #tpu.memory_space<hbm>>
      %dma_start3A_179 = arith.constant 0 : i32
      %dma_start3A_180 = tpu.memref_slice %arg6[%add3A_125, %add3A_167, %dma_start3A_179] : memref<4x40960x32xf32, #tpu.memory_space<hbm>> -> memref<1x512x32xf32, #tpu.memory_space<hbm>>
      %dma_start3A_181 = tpu.memref_squeeze %dma_start3A_180 : memref<1x512x32xf32, #tpu.memory_space<hbm>> -> memref<512x32xf32, #tpu.memory_space<hbm>>
      tpu.enqueue_dma source(%arg20 : memref<512x32xf32, #tpu.memory_space<vmem>>) target(%dma_start3A_181 : memref<512x32xf32, #tpu.memory_space<hbm>>) target_semaphore(%run_scoped3A : memref<!tpu.dma_semaphore, #tpu.memory_space<semaphore_mem>>)
      %dma_wait3A = arith.constant 0 : i32
      %dma_wait3A_182 = tpu.memref_slice %arg6[%add3A_125, %add3A_167, %dma_wait3A] : memref<4x40960x32xf32, #tpu.memory_space<hbm>> -> memref<1x512x32xf32, #tpu.memory_space<hbm>>
      %dma_wait3A_183 = tpu.memref_squeeze %dma_wait3A_182 : memref<1x512x32xf32, #tpu.memory_space<hbm>> -> memref<512x32xf32, #tpu.memory_space<hbm>>
      %dma_wait3A_184 = arith.constant 0 : i32
      %dma_wait3A_185 = tpu.memref_slice %arg6[%add3A_125, %add3A_167, %dma_wait3A_184] : memref<4x40960x32xf32, #tpu.memory_space<hbm>> -> memref<1x512x32xf32, #tpu.memory_space<hbm>>
      %dma_wait3A_186 = tpu.memref_squeeze %dma_wait3A_185 : memref<1x512x32xf32, #tpu.memory_space<hbm>> -> memref<512x32xf32, #tpu.memory_space<hbm>>
      tpu.wait_dma2 semaphore(%run_scoped3A : memref<!tpu.dma_semaphore, #tpu.memory_space<semaphore_mem>>) src(%arg20 : memref<512x32xf32, #tpu.memory_space<vmem>>) dst(%dma_wait3A_186 : memref<512x32xf32, #tpu.memory_space<hbm>>)
      tpu.yield
    }) : () -> ()
    %mul3A_168 = arith.constant 2560 : i32
    %mul3A_169 = arith.muli %arg1, %mul3A_168 : i32
    %add3A_170 = arith.constant 1536 : i32
    %add3A_171 = arith.addi %mul3A_169, %add3A_170 : i32
    "tpu.region"() ({
      %run_scoped3A = tpu.sem_alloc : memref<!tpu.dma_semaphore, #tpu.memory_space<semaphore_mem>>
      %dma_start3A = arith.constant 0 : i32
      %dma_start3A_177 = tpu.memref_slice %arg8[%add3A_171, %dma_start3A] : memref<40960x32xf32, #tpu.memory_space<vmem_shared>> -> memref<512x32xf32, #tpu.memory_space<vmem_shared>>
      %dma_start3A_178 = arith.constant 0 : i32
      %dma_start3A_179 = tpu.memref_slice %arg8[%add3A_171, %dma_start3A_178] : memref<40960x32xf32, #tpu.memory_space<vmem_shared>> -> memref<512x32xf32, #tpu.memory_space<vmem_shared>>
      tpu.enqueue_dma source(%dma_start3A_179 : memref<512x32xf32, #tpu.memory_space<vmem_shared>>) target(%arg20 : memref<512x32xf32, #tpu.memory_space<vmem>>) target_semaphore(%run_scoped3A : memref<!tpu.dma_semaphore, #tpu.memory_space<semaphore_mem>>)
      %dma_wait3A = arith.constant 0 : i32
      %dma_wait3A_180 = tpu.memref_slice %arg8[%add3A_171, %dma_wait3A] : memref<40960x32xf32, #tpu.memory_space<vmem_shared>> -> memref<512x32xf32, #tpu.memory_space<vmem_shared>>
      %dma_wait3A_181 = arith.constant 0 : i32
      %dma_wait3A_182 = tpu.memref_slice %arg8[%add3A_171, %dma_wait3A_181] : memref<40960x32xf32, #tpu.memory_space<vmem_shared>> -> memref<512x32xf32, #tpu.memory_space<vmem_shared>>
      tpu.wait_dma2 semaphore(%run_scoped3A : memref<!tpu.dma_semaphore, #tpu.memory_space<semaphore_mem>>) src(%dma_wait3A_182 : memref<512x32xf32, #tpu.memory_space<vmem_shared>>) dst(%arg20 : memref<512x32xf32, #tpu.memory_space<vmem>>)
      tpu.yield
    }) : () -> ()
    "tpu.region"() ({
      %run_scoped3A = tpu.sem_alloc : memref<!tpu.dma_semaphore, #tpu.memory_space<semaphore_mem>>
      %dma_start3A = arith.constant 0 : i32
      %dma_start3A_177 = tpu.memref_slice %arg6[%add3A_125, %add3A_171, %dma_start3A] : memref<4x40960x32xf32, #tpu.memory_space<hbm>> -> memref<1x512x32xf32, #tpu.memory_space<hbm>>
      %dma_start3A_178 = tpu.memref_squeeze %dma_start3A_177 : memref<1x512x32xf32, #tpu.memory_space<hbm>> -> memref<512x32xf32, #tpu.memory_space<hbm>>
      %dma_start3A_179 = arith.constant 0 : i32
      %dma_start3A_180 = tpu.memref_slice %arg6[%add3A_125, %add3A_171, %dma_start3A_179] : memref<4x40960x32xf32, #tpu.memory_space<hbm>> -> memref<1x512x32xf32, #tpu.memory_space<hbm>>
      %dma_start3A_181 = tpu.memref_squeeze %dma_start3A_180 : memref<1x512x32xf32, #tpu.memory_space<hbm>> -> memref<512x32xf32, #tpu.memory_space<hbm>>
      tpu.enqueue_dma source(%arg20 : memref<512x32xf32, #tpu.memory_space<vmem>>) target(%dma_start3A_181 : memref<512x32xf32, #tpu.memory_space<hbm>>) target_semaphore(%run_scoped3A : memref<!tpu.dma_semaphore, #tpu.memory_space<semaphore_mem>>)
      %dma_wait3A = arith.constant 0 : i32
      %dma_wait3A_182 = tpu.memref_slice %arg6[%add3A_125, %add3A_171, %dma_wait3A] : memref<4x40960x32xf32, #tpu.memory_space<hbm>> -> memref<1x512x32xf32, #tpu.memory_space<hbm>>
      %dma_wait3A_183 = tpu.memref_squeeze %dma_wait3A_182 : memref<1x512x32xf32, #tpu.memory_space<hbm>> -> memref<512x32xf32, #tpu.memory_space<hbm>>
      %dma_wait3A_184 = arith.constant 0 : i32
      %dma_wait3A_185 = tpu.memref_slice %arg6[%add3A_125, %add3A_171, %dma_wait3A_184] : memref<4x40960x32xf32, #tpu.memory_space<hbm>> -> memref<1x512x32xf32, #tpu.memory_space<hbm>>
      %dma_wait3A_186 = tpu.memref_squeeze %dma_wait3A_185 : memref<1x512x32xf32, #tpu.memory_space<hbm>> -> memref<512x32xf32, #tpu.memory_space<hbm>>
      tpu.wait_dma2 semaphore(%run_scoped3A : memref<!tpu.dma_semaphore, #tpu.memory_space<semaphore_mem>>) src(%arg20 : memref<512x32xf32, #tpu.memory_space<vmem>>) dst(%dma_wait3A_186 : memref<512x32xf32, #tpu.memory_space<hbm>>)
      tpu.yield
    }) : () -> ()
    %mul3A_172 = arith.constant 2560 : i32
    %mul3A_173 = arith.muli %arg1, %mul3A_172 : i32
    %add3A_174 = arith.constant 2048 : i32
    %add3A_175 = arith.addi %mul3A_173, %add3A_174 : i32
    "tpu.region"() ({
      %run_scoped3A = tpu.sem_alloc : memref<!tpu.dma_semaphore, #tpu.memory_space<semaphore_mem>>
      %dma_start3A = arith.constant 0 : i32
      %dma_start3A_177 = tpu.memref_slice %arg8[%add3A_175, %dma_start3A] : memref<40960x32xf32, #tpu.memory_space<vmem_shared>> -> memref<512x32xf32, #tpu.memory_space<vmem_shared>>
      %dma_start3A_178 = arith.constant 0 : i32
      %dma_start3A_179 = tpu.memref_slice %arg8[%add3A_175, %dma_start3A_178] : memref<40960x32xf32, #tpu.memory_space<vmem_shared>> -> memref<512x32xf32, #tpu.memory_space<vmem_shared>>
      tpu.enqueue_dma source(%dma_start3A_179 : memref<512x32xf32, #tpu.memory_space<vmem_shared>>) target(%arg20 : memref<512x32xf32, #tpu.memory_space<vmem>>) target_semaphore(%run_scoped3A : memref<!tpu.dma_semaphore, #tpu.memory_space<semaphore_mem>>)
      %dma_wait3A = arith.constant 0 : i32
      %dma_wait3A_180 = tpu.memref_slice %arg8[%add3A_175, %dma_wait3A] : memref<40960x32xf32, #tpu.memory_space<vmem_shared>> -> memref<512x32xf32, #tpu.memory_space<vmem_shared>>
      %dma_wait3A_181 = arith.constant 0 : i32
      %dma_wait3A_182 = tpu.memref_slice %arg8[%add3A_175, %dma_wait3A_181] : memref<40960x32xf32, #tpu.memory_space<vmem_shared>> -> memref<512x32xf32, #tpu.memory_space<vmem_shared>>
      tpu.wait_dma2 semaphore(%run_scoped3A : memref<!tpu.dma_semaphore, #tpu.memory_space<semaphore_mem>>) src(%dma_wait3A_182 : memref<512x32xf32, #tpu.memory_space<vmem_shared>>) dst(%arg20 : memref<512x32xf32, #tpu.memory_space<vmem>>)
      tpu.yield
    }) : () -> ()
    "tpu.region"() ({
      %run_scoped3A = tpu.sem_alloc : memref<!tpu.dma_semaphore, #tpu.memory_space<semaphore_mem>>
      %dma_start3A = arith.constant 0 : i32
      %dma_start3A_177 = tpu.memref_slice %arg6[%add3A_125, %add3A_175, %dma_start3A] : memref<4x40960x32xf32, #tpu.memory_space<hbm>> -> memref<1x512x32xf32, #tpu.memory_space<hbm>>
      %dma_start3A_178 = tpu.memref_squeeze %dma_start3A_177 : memref<1x512x32xf32, #tpu.memory_space<hbm>> -> memref<512x32xf32, #tpu.memory_space<hbm>>
      %dma_start3A_179 = arith.constant 0 : i32
      %dma_start3A_180 = tpu.memref_slice %arg6[%add3A_125, %add3A_175, %dma_start3A_179] : memref<4x40960x32xf32, #tpu.memory_space<hbm>> -> memref<1x512x32xf32, #tpu.memory_space<hbm>>
      %dma_start3A_181 = tpu.memref_squeeze %dma_start3A_180 : memref<1x512x32xf32, #tpu.memory_space<hbm>> -> memref<512x32xf32, #tpu.memory_space<hbm>>
      tpu.enqueue_dma source(%arg20 : memref<512x32xf32, #tpu.memory_space<vmem>>) target(%dma_start3A_181 : memref<512x32xf32, #tpu.memory_space<hbm>>) target_semaphore(%run_scoped3A : memref<!tpu.dma_semaphore, #tpu.memory_space<semaphore_mem>>)
      %dma_wait3A = arith.constant 0 : i32
      %dma_wait3A_182 = tpu.memref_slice %arg6[%add3A_125, %add3A_175, %dma_wait3A] : memref<4x40960x32xf32, #tpu.memory_space<hbm>> -> memref<1x512x32xf32, #tpu.memory_space<hbm>>
      %dma_wait3A_183 = tpu.memref_squeeze %dma_wait3A_182 : memref<1x512x32xf32, #tpu.memory_space<hbm>> -> memref<512x32xf32, #tpu.memory_space<hbm>>
      %dma_wait3A_184 = arith.constant 0 : i32
      %dma_wait3A_185 = tpu.memref_slice %arg6[%add3A_125, %add3A_175, %dma_wait3A_184] : memref<4x40960x32xf32, #tpu.memory_space<hbm>> -> memref<1x512x32xf32, #tpu.memory_space<hbm>>
      %dma_wait3A_186 = tpu.memref_squeeze %dma_wait3A_185 : memref<1x512x32xf32, #tpu.memory_space<hbm>> -> memref<512x32xf32, #tpu.memory_space<hbm>>
      tpu.wait_dma2 semaphore(%run_scoped3A : memref<!tpu.dma_semaphore, #tpu.memory_space<semaphore_mem>>) src(%arg20 : memref<512x32xf32, #tpu.memory_space<vmem>>) dst(%dma_wait3A_186 : memref<512x32xf32, #tpu.memory_space<hbm>>)
      tpu.yield
    }) : () -> ()
    %barrier3A_176 = arith.constant 0 : index
    tpu.barrier barrier_id(%barrier3A_176)
    return
  }
}

module attributes {stable_mosaic.version = 14 : i64} {
  func.func @_stage1_body(%arg0: i32, %arg1: memref<512x256xf32, #tpu.memory_space<vmem>>, %arg2: memref<256x128xf32, #tpu.memory_space<vmem>>, %arg3: memref<1x128xf32, #tpu.memory_space<vmem>>, %arg4: memref<512x128xf32, #tpu.memory_space<vmem>>, %arg5: memref<4x512x32xf32, #tpu.memory_space<vmem>>) attributes {dimension_semantics = [#tpu.dimension_semantics<arbitrary>], iteration_bounds = array<i64: 20>, scalar_prefetch = 0 : i64, scratch_operands = 0 : i64, tpu.core_type = #tpu.core_type<tc>, window_params = [{transform_indices = @transform_0, window_bounds = array<i64: 512, 256>}, {pipeline_mode = #tpu.pipeline_mode<synchronous>, transform_indices = @transform_1, window_bounds = array<i64: 256, 128>}, {pipeline_mode = #tpu.pipeline_mode<synchronous>, transform_indices = @transform_2, window_bounds = array<i64: 1, 128>}, {transform_indices = @transform_3, window_bounds = array<i64: 512, 128>}, {transform_indices = @transform_4, window_bounds = array<i64: 4, 512, 32>}]} {
    %get3A = arith.constant 0 : index
    %get3A_0 = arith.constant 0 : index
    %get3A_1 = vector.load %arg1[%get3A, %get3A_0] : memref<512x256xf32, #tpu.memory_space<vmem>>, vector<512x256xf32>
    %get3A_2 = arith.constant 0 : index
    %get3A_3 = arith.constant 0 : index
    %get3A_4 = vector.load %arg2[%get3A_2, %get3A_3] : memref<256x128xf32, #tpu.memory_space<vmem>>, vector<256x128xf32>
    %dot_general3A = arith.constant dense<0.000000e+00> : vector<512x128xf32>
    %dot_general3A_5 = tpu.matmul %get3A_1, %get3A_4, %dot_general3A {dimension_numbers = #tpu.dot_dimension_numbers<[1], [0], [0], [1], [0, 0, 1, 1], [], []>, transpose_lhs_hint = false} : vector<512x256xf32>, vector<256x128xf32>, vector<512x128xf32> -> vector<512x128xf32>
    %get3A_6 = arith.constant 0 : index
    %get3A_7 = arith.constant 0 : index
    %get3A_8 = vector.load %arg3[%get3A_6, %get3A_7] : memref<1x128xf32, #tpu.memory_space<vmem>>, vector<1x128xf32>
    %add3A = vector.broadcast %get3A_8 : vector<1x128xf32> to vector<512x128xf32>
    %add3A_9 = arith.addf %dot_general3A_5, %add3A : vector<512x128xf32>
    %gt3A = arith.constant 0.000000e+00 : f32
    %gt3A_10 = vector.broadcast %gt3A : f32 to vector<512x128xf32>
    %gt3A_11 = arith.cmpf ogt, %add3A_9, %gt3A_10 : vector<512x128xf32>
    %mul3A = arith.constant 0.00999999977 : f32
    %mul3A_12 = vector.broadcast %mul3A : f32 to vector<512x128xf32>
    %mul3A_13 = arith.mulf %mul3A_12, %add3A_9 : vector<512x128xf32>
    %select_n3A = arith.select %gt3A_11, %add3A_9, %mul3A_13 : vector<512x128xi1>, vector<512x128xf32>
    %swap3A = arith.constant 0 : index
    %swap3A_14 = arith.constant 0 : index
    %swap3A_15 = vector.load %arg4[%swap3A, %swap3A_14] : memref<512x128xf32, #tpu.memory_space<vmem>>, vector<512x128xf32>
    tpu.vector_store %arg4[%swap3A, %swap3A_14], %select_n3A {strides = array<i32>} : memref<512x128xf32, #tpu.memory_space<vmem>>, vector<512x128xf32>,
    %slice3A = vector.extract_strided_slice %select_n3A {offsets = [0, 0], sizes = [512, 32], strides = [1, 1]} : vector<512x128xf32> to vector<512x32xf32>
    %swap3A_16 = arith.constant 0 : index
    %swap3A_17 = arith.constant 0 : index
    %swap3A_18 = arith.constant 0 : index
    %swap3A_19 = vector.load %arg5[%swap3A_16, %swap3A_17, %swap3A_18] : memref<4x512x32xf32, #tpu.memory_space<vmem>>, vector<1x512x32xf32>
    %swap3A_20 = vector.shape_cast %swap3A_19 : vector<1x512x32xf32> to vector<512x32xf32>
    %swap3A_21 = vector.shape_cast %slice3A : vector<512x32xf32> to vector<1x512x32xf32>
    tpu.vector_store %arg5[%swap3A_16, %swap3A_17, %swap3A_18], %swap3A_21 {strides = array<i32>} : memref<4x512x32xf32, #tpu.memory_space<vmem>>, vector<1x512x32xf32>,
    %slice3A_22 = vector.extract_strided_slice %select_n3A {offsets = [0, 32], sizes = [512, 32], strides = [1, 1]} : vector<512x128xf32> to vector<512x32xf32>
    %swap3A_23 = arith.constant 1 : index
    %swap3A_24 = arith.constant 0 : index
    %swap3A_25 = arith.constant 0 : index
    %swap3A_26 = vector.load %arg5[%swap3A_23, %swap3A_24, %swap3A_25] : memref<4x512x32xf32, #tpu.memory_space<vmem>>, vector<1x512x32xf32>
    %swap3A_27 = vector.shape_cast %swap3A_26 : vector<1x512x32xf32> to vector<512x32xf32>
    %swap3A_28 = vector.shape_cast %slice3A_22 : vector<512x32xf32> to vector<1x512x32xf32>
    tpu.vector_store %arg5[%swap3A_23, %swap3A_24, %swap3A_25], %swap3A_28 {strides = array<i32>} : memref<4x512x32xf32, #tpu.memory_space<vmem>>, vector<1x512x32xf32>,
    %slice3A_29 = vector.extract_strided_slice %select_n3A {offsets = [0, 64], sizes = [512, 32], strides = [1, 1]} : vector<512x128xf32> to vector<512x32xf32>
    %swap3A_30 = arith.constant 2 : index
    %swap3A_31 = arith.constant 0 : index
    %swap3A_32 = arith.constant 0 : index
    %swap3A_33 = vector.load %arg5[%swap3A_30, %swap3A_31, %swap3A_32] : memref<4x512x32xf32, #tpu.memory_space<vmem>>, vector<1x512x32xf32>
    %swap3A_34 = vector.shape_cast %swap3A_33 : vector<1x512x32xf32> to vector<512x32xf32>
    %swap3A_35 = vector.shape_cast %slice3A_29 : vector<512x32xf32> to vector<1x512x32xf32>
    tpu.vector_store %arg5[%swap3A_30, %swap3A_31, %swap3A_32], %swap3A_35 {strides = array<i32>} : memref<4x512x32xf32, #tpu.memory_space<vmem>>, vector<1x512x32xf32>,
    %slice3A_36 = vector.extract_strided_slice %select_n3A {offsets = [0, 96], sizes = [512, 32], strides = [1, 1]} : vector<512x128xf32> to vector<512x32xf32>
    %swap3A_37 = arith.constant 3 : index
    %swap3A_38 = arith.constant 0 : index
    %swap3A_39 = arith.constant 0 : index
    %swap3A_40 = vector.load %arg5[%swap3A_37, %swap3A_38, %swap3A_39] : memref<4x512x32xf32, #tpu.memory_space<vmem>>, vector<1x512x32xf32>
    %swap3A_41 = vector.shape_cast %swap3A_40 : vector<1x512x32xf32> to vector<512x32xf32>
    %swap3A_42 = vector.shape_cast %slice3A_36 : vector<512x32xf32> to vector<1x512x32xf32>
    tpu.vector_store %arg5[%swap3A_37, %swap3A_38, %swap3A_39], %swap3A_42 {strides = array<i32>} : memref<4x512x32xf32, #tpu.memory_space<vmem>>, vector<1x512x32xf32>,
    return
  }
  func.func @transform_0(%arg0: i32) -> (i32, i32) {
    %c0_i32 = arith.constant 0 : i32
    %c0_i32_0 = arith.constant 0 : i32
    return %arg0, %c0_i32 : i32, i32
  }
  func.func @transform_1(%arg0: i32) -> (i32, i32) {
    %c0_i32 = arith.constant 0 : i32
    %c0_i32_0 = arith.constant 0 : i32
    %c0_i32_1 = arith.constant 0 : i32
    return %c0_i32, %c0_i32_0 : i32, i32
  }
  func.func @transform_2(%arg0: i32) -> (i32, i32) {
    %c0_i32 = arith.constant 0 : i32
    %c0_i32_0 = arith.constant 0 : i32
    %c0_i32_1 = arith.constant 0 : i32
    return %c0_i32, %c0_i32_0 : i32, i32
  }
  func.func @transform_3(%arg0: i32) -> (i32, i32) {
    %c0_i32 = arith.constant 0 : i32
    %c0_i32_0 = arith.constant 0 : i32
    return %arg0, %c0_i32 : i32, i32
  }
  func.func @transform_4(%arg0: i32) -> (i32, i32, i32) {
    %c0_i32 = arith.constant 0 : i32
    %c0_i32_0 = arith.constant 0 : i32
    %c0_i32_1 = arith.constant 0 : i32
    return %c0_i32, %arg0, %c0_i32_0 : i32, i32, i32
  }
}

module attributes {stable_mosaic.version = 14 : i64} {
  func.func @_stage3_body(%arg0: i32, %arg1: memref<512x128xf32, #tpu.memory_space<vmem>>, %arg2: memref<4x4x512x32xf32, #tpu.memory_space<vmem>>, %arg3: memref<512x4xf32, #tpu.memory_space<vmem>>, %arg4: memref<128x128xf32, #tpu.memory_space<vmem>>, %arg5: memref<1x128xf32, #tpu.memory_space<vmem>>, %arg6: memref<512x128xf32, #tpu.memory_space<vmem>>, %arg7: memref<128x128xf32, #tpu.memory_space<vmem>>, %arg8: memref<1x128xf32, #tpu.memory_space<vmem>>, %arg9: memref<128x2xf32, #tpu.memory_space<vmem>>, %arg10: memref<1x2xf32, #tpu.memory_space<vmem>>, %arg11: memref<512x2xf32, #tpu.memory_space<vmem>>) attributes {dimension_semantics = [#tpu.dimension_semantics<arbitrary>], iteration_bounds = array<i64: 20>, scalar_prefetch = 0 : i64, scratch_operands = 0 : i64, tpu.core_type = #tpu.core_type<tc>, window_params = [{transform_indices = @transform_0, window_bounds = array<i64: 512, 128>}, {transform_indices = @transform_1, window_bounds = array<i64: 4, 4, 512, 32>}, {transform_indices = @transform_2, window_bounds = array<i64: 512, 4>}, {pipeline_mode = #tpu.pipeline_mode<synchronous>, transform_indices = @transform_3, window_bounds = array<i64: 128, 128>}, {pipeline_mode = #tpu.pipeline_mode<synchronous>, transform_indices = @transform_4, window_bounds = array<i64: 1, 128>}, {pipeline_mode = #tpu.pipeline_mode<synchronous>, transform_indices = @transform_5, window_bounds = array<i64: 512, 128>}, {pipeline_mode = #tpu.pipeline_mode<synchronous>, transform_indices = @transform_6, window_bounds = array<i64: 128, 128>}, {pipeline_mode = #tpu.pipeline_mode<synchronous>, transform_indices = @transform_7, window_bounds = array<i64: 1, 128>}, {pipeline_mode = #tpu.pipeline_mode<synchronous>, transform_indices = @transform_8, window_bounds = array<i64: 128, 2>}, {pipeline_mode = #tpu.pipeline_mode<synchronous>, transform_indices = @transform_9, window_bounds = array<i64: 1, 2>}, {transform_indices = @transform_10, window_bounds = array<i64: 512, 2>}]} {
    %get3A = arith.constant 0 : index
    %get3A_0 = arith.constant 0 : index
    %get3A_1 = vector.load %arg1[%get3A, %get3A_0] : memref<512x128xf32, #tpu.memory_space<vmem>>, vector<512x128xf32>
    %get3A_2 = arith.constant 0 : index
    %get3A_3 = arith.constant 0 : index
    %get3A_4 = vector.load %arg4[%get3A_2, %get3A_3] : memref<128x128xf32, #tpu.memory_space<vmem>>, vector<128x128xf32>
    %dot_general3A = arith.constant dense<0.000000e+00> : vector<512x128xf32>
    %dot_general3A_5 = tpu.matmul %get3A_1, %get3A_4, %dot_general3A {dimension_numbers = #tpu.dot_dimension_numbers<[1], [0], [0], [1], [0, 0, 1, 1], [], []>, transpose_lhs_hint = false} : vector<512x128xf32>, vector<128x128xf32>, vector<512x128xf32> -> vector<512x128xf32>
    %get3A_6 = arith.constant 0 : index
    %get3A_7 = arith.constant 0 : index
    %get3A_8 = vector.load %arg5[%get3A_6, %get3A_7] : memref<1x128xf32, #tpu.memory_space<vmem>>, vector<1x128xf32>
    %add3A = vector.broadcast %get3A_8 : vector<1x128xf32> to vector<512x128xf32>
    %add3A_9 = arith.addf %dot_general3A_5, %add3A : vector<512x128xf32>
    %get3A_10 = arith.constant 0 : index
    %get3A_11 = arith.constant 0 : index
    %get3A_12 = vector.load %arg3[%get3A_10, %get3A_11] : memref<512x4xf32, #tpu.memory_space<vmem>>, vector<512x4xf32>
    %max3A = arith.constant 1.000000e+00 : f32
    %max3A_13 = vector.broadcast %max3A : f32 to vector<512x4xf32>
    %max3A_14 = arith.maximumf %get3A_12, %max3A_13 : vector<512x4xf32>
    %div3A = arith.constant 1.000000e+00 : f32
    %div3A_15 = vector.broadcast %div3A : f32 to vector<512x4xf32>
    %div3A_16 = arith.divf %div3A_15, %max3A_14 : vector<512x4xf32>
    %slice3A = vector.extract_strided_slice %div3A_16 {offsets = [0, 0], sizes = [512, 1], strides = [1, 1]} : vector<512x4xf32> to vector<512x1xf32>
    %get3A_17 = arith.constant 0 : index
    %get3A_18 = arith.constant 0 : index
    %get3A_19 = arith.constant 0 : index
    %get3A_20 = arith.constant 0 : index
    %get3A_21 = vector.load %arg2[%get3A_17, %get3A_18, %get3A_19, %get3A_20] : memref<4x4x512x32xf32, #tpu.memory_space<vmem>>, vector<1x1x512x32xf32>
    %get3A_22 = vector.shape_cast %get3A_21 : vector<1x1x512x32xf32> to vector<512x32xf32>
    %mul3A = vector.broadcast %slice3A : vector<512x1xf32> to vector<512x32xf32>
    %mul3A_23 = arith.mulf %get3A_22, %mul3A : vector<512x32xf32>
    %get3A_24 = arith.constant 1 : index
    %get3A_25 = arith.constant 0 : index
    %get3A_26 = arith.constant 0 : index
    %get3A_27 = arith.constant 0 : index
    %get3A_28 = vector.load %arg2[%get3A_24, %get3A_25, %get3A_26, %get3A_27] : memref<4x4x512x32xf32, #tpu.memory_space<vmem>>, vector<1x1x512x32xf32>
    %get3A_29 = vector.shape_cast %get3A_28 : vector<1x1x512x32xf32> to vector<512x32xf32>
    %mul3A_30 = vector.broadcast %slice3A : vector<512x1xf32> to vector<512x32xf32>
    %mul3A_31 = arith.mulf %get3A_29, %mul3A_30 : vector<512x32xf32>
    %get3A_32 = arith.constant 2 : index
    %get3A_33 = arith.constant 0 : index
    %get3A_34 = arith.constant 0 : index
    %get3A_35 = arith.constant 0 : index
    %get3A_36 = vector.load %arg2[%get3A_32, %get3A_33, %get3A_34, %get3A_35] : memref<4x4x512x32xf32, #tpu.memory_space<vmem>>, vector<1x1x512x32xf32>
    %get3A_37 = vector.shape_cast %get3A_36 : vector<1x1x512x32xf32> to vector<512x32xf32>
    %mul3A_38 = vector.broadcast %slice3A : vector<512x1xf32> to vector<512x32xf32>
    %mul3A_39 = arith.mulf %get3A_37, %mul3A_38 : vector<512x32xf32>
    %get3A_40 = arith.constant 3 : index
    %get3A_41 = arith.constant 0 : index
    %get3A_42 = arith.constant 0 : index
    %get3A_43 = arith.constant 0 : index
    %get3A_44 = vector.load %arg2[%get3A_40, %get3A_41, %get3A_42, %get3A_43] : memref<4x4x512x32xf32, #tpu.memory_space<vmem>>, vector<1x1x512x32xf32>
    %get3A_45 = vector.shape_cast %get3A_44 : vector<1x1x512x32xf32> to vector<512x32xf32>
    %mul3A_46 = vector.broadcast %slice3A : vector<512x1xf32> to vector<512x32xf32>
    %mul3A_47 = arith.mulf %get3A_45, %mul3A_46 : vector<512x32xf32>
    %slice3A_48 = vector.extract_strided_slice %div3A_16 {offsets = [0, 1], sizes = [512, 1], strides = [1, 1]} : vector<512x4xf32> to vector<512x1xf32>
    %get3A_49 = arith.constant 0 : index
    %get3A_50 = arith.constant 1 : index
    %get3A_51 = arith.constant 0 : index
    %get3A_52 = arith.constant 0 : index
    %get3A_53 = vector.load %arg2[%get3A_49, %get3A_50, %get3A_51, %get3A_52] : memref<4x4x512x32xf32, #tpu.memory_space<vmem>>, vector<1x1x512x32xf32>
    %get3A_54 = vector.shape_cast %get3A_53 : vector<1x1x512x32xf32> to vector<512x32xf32>
    %mul3A_55 = vector.broadcast %slice3A_48 : vector<512x1xf32> to vector<512x32xf32>
    %mul3A_56 = arith.mulf %get3A_54, %mul3A_55 : vector<512x32xf32>
    %get3A_57 = arith.constant 1 : index
    %get3A_58 = arith.constant 1 : index
    %get3A_59 = arith.constant 0 : index
    %get3A_60 = arith.constant 0 : index
    %get3A_61 = vector.load %arg2[%get3A_57, %get3A_58, %get3A_59, %get3A_60] : memref<4x4x512x32xf32, #tpu.memory_space<vmem>>, vector<1x1x512x32xf32>
    %get3A_62 = vector.shape_cast %get3A_61 : vector<1x1x512x32xf32> to vector<512x32xf32>
    %mul3A_63 = vector.broadcast %slice3A_48 : vector<512x1xf32> to vector<512x32xf32>
    %mul3A_64 = arith.mulf %get3A_62, %mul3A_63 : vector<512x32xf32>
    %get3A_65 = arith.constant 2 : index
    %get3A_66 = arith.constant 1 : index
    %get3A_67 = arith.constant 0 : index
    %get3A_68 = arith.constant 0 : index
    %get3A_69 = vector.load %arg2[%get3A_65, %get3A_66, %get3A_67, %get3A_68] : memref<4x4x512x32xf32, #tpu.memory_space<vmem>>, vector<1x1x512x32xf32>
    %get3A_70 = vector.shape_cast %get3A_69 : vector<1x1x512x32xf32> to vector<512x32xf32>
    %mul3A_71 = vector.broadcast %slice3A_48 : vector<512x1xf32> to vector<512x32xf32>
    %mul3A_72 = arith.mulf %get3A_70, %mul3A_71 : vector<512x32xf32>
    %get3A_73 = arith.constant 3 : index
    %get3A_74 = arith.constant 1 : index
    %get3A_75 = arith.constant 0 : index
    %get3A_76 = arith.constant 0 : index
    %get3A_77 = vector.load %arg2[%get3A_73, %get3A_74, %get3A_75, %get3A_76] : memref<4x4x512x32xf32, #tpu.memory_space<vmem>>, vector<1x1x512x32xf32>
    %get3A_78 = vector.shape_cast %get3A_77 : vector<1x1x512x32xf32> to vector<512x32xf32>
    %mul3A_79 = vector.broadcast %slice3A_48 : vector<512x1xf32> to vector<512x32xf32>
    %mul3A_80 = arith.mulf %get3A_78, %mul3A_79 : vector<512x32xf32>
    %slice3A_81 = vector.extract_strided_slice %div3A_16 {offsets = [0, 2], sizes = [512, 1], strides = [1, 1]} : vector<512x4xf32> to vector<512x1xf32>
    %get3A_82 = arith.constant 0 : index
    %get3A_83 = arith.constant 2 : index
    %get3A_84 = arith.constant 0 : index
    %get3A_85 = arith.constant 0 : index
    %get3A_86 = vector.load %arg2[%get3A_82, %get3A_83, %get3A_84, %get3A_85] : memref<4x4x512x32xf32, #tpu.memory_space<vmem>>, vector<1x1x512x32xf32>
    %get3A_87 = vector.shape_cast %get3A_86 : vector<1x1x512x32xf32> to vector<512x32xf32>
    %mul3A_88 = vector.broadcast %slice3A_81 : vector<512x1xf32> to vector<512x32xf32>
    %mul3A_89 = arith.mulf %get3A_87, %mul3A_88 : vector<512x32xf32>
    %get3A_90 = arith.constant 1 : index
    %get3A_91 = arith.constant 2 : index
    %get3A_92 = arith.constant 0 : index
    %get3A_93 = arith.constant 0 : index
    %get3A_94 = vector.load %arg2[%get3A_90, %get3A_91, %get3A_92, %get3A_93] : memref<4x4x512x32xf32, #tpu.memory_space<vmem>>, vector<1x1x512x32xf32>
    %get3A_95 = vector.shape_cast %get3A_94 : vector<1x1x512x32xf32> to vector<512x32xf32>
    %mul3A_96 = vector.broadcast %slice3A_81 : vector<512x1xf32> to vector<512x32xf32>
    %mul3A_97 = arith.mulf %get3A_95, %mul3A_96 : vector<512x32xf32>
    %get3A_98 = arith.constant 2 : index
    %get3A_99 = arith.constant 2 : index
    %get3A_100 = arith.constant 0 : index
    %get3A_101 = arith.constant 0 : index
    %get3A_102 = vector.load %arg2[%get3A_98, %get3A_99, %get3A_100, %get3A_101] : memref<4x4x512x32xf32, #tpu.memory_space<vmem>>, vector<1x1x512x32xf32>
    %get3A_103 = vector.shape_cast %get3A_102 : vector<1x1x512x32xf32> to vector<512x32xf32>
    %mul3A_104 = vector.broadcast %slice3A_81 : vector<512x1xf32> to vector<512x32xf32>
    %mul3A_105 = arith.mulf %get3A_103, %mul3A_104 : vector<512x32xf32>
    %get3A_106 = arith.constant 3 : index
    %get3A_107 = arith.constant 2 : index
    %get3A_108 = arith.constant 0 : index
    %get3A_109 = arith.constant 0 : index
    %get3A_110 = vector.load %arg2[%get3A_106, %get3A_107, %get3A_108, %get3A_109] : memref<4x4x512x32xf32, #tpu.memory_space<vmem>>, vector<1x1x512x32xf32>
    %get3A_111 = vector.shape_cast %get3A_110 : vector<1x1x512x32xf32> to vector<512x32xf32>
    %mul3A_112 = vector.broadcast %slice3A_81 : vector<512x1xf32> to vector<512x32xf32>
    %mul3A_113 = arith.mulf %get3A_111, %mul3A_112 : vector<512x32xf32>
    %slice3A_114 = vector.extract_strided_slice %div3A_16 {offsets = [0, 3], sizes = [512, 1], strides = [1, 1]} : vector<512x4xf32> to vector<512x1xf32>
    %get3A_115 = arith.constant 0 : index
    %get3A_116 = arith.constant 3 : index
    %get3A_117 = arith.constant 0 : index
    %get3A_118 = arith.constant 0 : index
    %get3A_119 = vector.load %arg2[%get3A_115, %get3A_116, %get3A_117, %get3A_118] : memref<4x4x512x32xf32, #tpu.memory_space<vmem>>, vector<1x1x512x32xf32>
    %get3A_120 = vector.shape_cast %get3A_119 : vector<1x1x512x32xf32> to vector<512x32xf32>
    %mul3A_121 = vector.broadcast %slice3A_114 : vector<512x1xf32> to vector<512x32xf32>
    %mul3A_122 = arith.mulf %get3A_120, %mul3A_121 : vector<512x32xf32>
    %get3A_123 = arith.constant 1 : index
    %get3A_124 = arith.constant 3 : index
    %get3A_125 = arith.constant 0 : index
    %get3A_126 = arith.constant 0 : index
    %get3A_127 = vector.load %arg2[%get3A_123, %get3A_124, %get3A_125, %get3A_126] : memref<4x4x512x32xf32, #tpu.memory_space<vmem>>, vector<1x1x512x32xf32>
    %get3A_128 = vector.shape_cast %get3A_127 : vector<1x1x512x32xf32> to vector<512x32xf32>
    %mul3A_129 = vector.broadcast %slice3A_114 : vector<512x1xf32> to vector<512x32xf32>
    %mul3A_130 = arith.mulf %get3A_128, %mul3A_129 : vector<512x32xf32>
    %get3A_131 = arith.constant 2 : index
    %get3A_132 = arith.constant 3 : index
    %get3A_133 = arith.constant 0 : index
    %get3A_134 = arith.constant 0 : index
    %get3A_135 = vector.load %arg2[%get3A_131, %get3A_132, %get3A_133, %get3A_134] : memref<4x4x512x32xf32, #tpu.memory_space<vmem>>, vector<1x1x512x32xf32>
    %get3A_136 = vector.shape_cast %get3A_135 : vector<1x1x512x32xf32> to vector<512x32xf32>
    %mul3A_137 = vector.broadcast %slice3A_114 : vector<512x1xf32> to vector<512x32xf32>
    %mul3A_138 = arith.mulf %get3A_136, %mul3A_137 : vector<512x32xf32>
    %get3A_139 = arith.constant 3 : index
    %get3A_140 = arith.constant 3 : index
    %get3A_141 = arith.constant 0 : index
    %get3A_142 = arith.constant 0 : index
    %get3A_143 = vector.load %arg2[%get3A_139, %get3A_140, %get3A_141, %get3A_142] : memref<4x4x512x32xf32, #tpu.memory_space<vmem>>, vector<1x1x512x32xf32>
    %get3A_144 = vector.shape_cast %get3A_143 : vector<1x1x512x32xf32> to vector<512x32xf32>
    %mul3A_145 = vector.broadcast %slice3A_114 : vector<512x1xf32> to vector<512x32xf32>
    %mul3A_146 = arith.mulf %get3A_144, %mul3A_145 : vector<512x32xf32>
    %concatenate3A = tpu.concatenate %mul3A_23, %mul3A_31, %mul3A_39, %mul3A_47, %mul3A_56, %mul3A_64, %mul3A_72, %mul3A_80, %mul3A_89, %mul3A_97, %mul3A_105, %mul3A_113, %mul3A_122, %mul3A_130, %mul3A_138, %mul3A_146 in 1 : vector<512x32xf32>, vector<512x32xf32>, vector<512x32xf32>, vector<512x32xf32>, vector<512x32xf32>, vector<512x32xf32>, vector<512x32xf32>, vector<512x32xf32>, vector<512x32xf32>, vector<512x32xf32>, vector<512x32xf32>, vector<512x32xf32>, vector<512x32xf32>, vector<512x32xf32>, vector<512x32xf32>, vector<512x32xf32> -> vector<512x512xf32>
    %get3A_147 = arith.constant 0 : index
    %get3A_148 = arith.constant 0 : index
    %get3A_149 = vector.load %arg6[%get3A_147, %get3A_148] : memref<512x128xf32, #tpu.memory_space<vmem>>, vector<512x128xf32>
    %dot_general3A_150 = arith.constant dense<0.000000e+00> : vector<512x128xf32>
    %dot_general3A_151 = tpu.matmul %concatenate3A, %get3A_149, %dot_general3A_150 {dimension_numbers = #tpu.dot_dimension_numbers<[1], [0], [0], [1], [0, 0, 1, 1], [], []>, transpose_lhs_hint = false} : vector<512x512xf32>, vector<512x128xf32>, vector<512x128xf32> -> vector<512x128xf32>
    %add3A_152 = arith.addf %add3A_9, %dot_general3A_151 : vector<512x128xf32>
    %get3A_153 = arith.constant 0 : index
    %get3A_154 = arith.constant 0 : index
    %get3A_155 = vector.load %arg7[%get3A_153, %get3A_154] : memref<128x128xf32, #tpu.memory_space<vmem>>, vector<128x128xf32>
    %dot_general3A_156 = arith.constant dense<0.000000e+00> : vector<512x128xf32>
    %dot_general3A_157 = tpu.matmul %add3A_152, %get3A_155, %dot_general3A_156 {dimension_numbers = #tpu.dot_dimension_numbers<[1], [0], [0], [1], [0, 0, 1, 1], [], []>, transpose_lhs_hint = false} : vector<512x128xf32>, vector<128x128xf32>, vector<512x128xf32> -> vector<512x128xf32>
    %get3A_158 = arith.constant 0 : index
    %get3A_159 = arith.constant 0 : index
    %get3A_160 = vector.load %arg8[%get3A_158, %get3A_159] : memref<1x128xf32, #tpu.memory_space<vmem>>, vector<1x128xf32>
    %add3A_161 = vector.broadcast %get3A_160 : vector<1x128xf32> to vector<512x128xf32>
    %add3A_162 = arith.addf %dot_general3A_157, %add3A_161 : vector<512x128xf32>
    %gt3A = arith.constant 0.000000e+00 : f32
    %gt3A_163 = vector.broadcast %gt3A : f32 to vector<512x128xf32>
    %gt3A_164 = arith.cmpf ogt, %add3A_162, %gt3A_163 : vector<512x128xf32>
    %mul3A_165 = arith.constant 0.00999999977 : f32
    %mul3A_166 = vector.broadcast %mul3A_165 : f32 to vector<512x128xf32>
    %mul3A_167 = arith.mulf %mul3A_166, %add3A_162 : vector<512x128xf32>
    %select_n3A = arith.select %gt3A_164, %add3A_162, %mul3A_167 : vector<512x128xi1>, vector<512x128xf32>
    %get3A_168 = arith.constant 0 : index
    %get3A_169 = arith.constant 0 : index
    %get3A_170 = vector.load %arg9[%get3A_168, %get3A_169] : memref<128x2xf32, #tpu.memory_space<vmem>>, vector<128x2xf32>
    %dot_general3A_171 = arith.constant dense<0.000000e+00> : vector<512x2xf32>
    %dot_general3A_172 = tpu.matmul %select_n3A, %get3A_170, %dot_general3A_171 {dimension_numbers = #tpu.dot_dimension_numbers<[1], [0], [0], [1], [0, 0, 1, 1], [], []>, transpose_lhs_hint = false} : vector<512x128xf32>, vector<128x2xf32>, vector<512x2xf32> -> vector<512x2xf32>
    %get3A_173 = arith.constant 0 : index
    %get3A_174 = arith.constant 0 : index
    %get3A_175 = vector.load %arg10[%get3A_173, %get3A_174] : memref<1x2xf32, #tpu.memory_space<vmem>>, vector<1x2xf32>
    %add3A_176 = vector.broadcast %get3A_175 : vector<1x2xf32> to vector<512x2xf32>
    %add3A_177 = arith.addf %dot_general3A_172, %add3A_176 : vector<512x2xf32>
    %swap3A = arith.constant 0 : index
    %swap3A_178 = arith.constant 0 : index
    %swap3A_179 = vector.load %arg11[%swap3A, %swap3A_178] : memref<512x2xf32, #tpu.memory_space<vmem>>, vector<512x2xf32>
    tpu.vector_store %arg11[%swap3A, %swap3A_178], %add3A_177 {strides = array<i32>} : memref<512x2xf32, #tpu.memory_space<vmem>>, vector<512x2xf32>,
    return
  }
  func.func @transform_0(%arg0: i32) -> (i32, i32) {
    %c0_i32 = arith.constant 0 : i32
    %c0_i32_0 = arith.constant 0 : i32
    return %arg0, %c0_i32 : i32, i32
  }
  func.func @transform_1(%arg0: i32) -> (i32, i32, i32, i32) {
    %c0_i32 = arith.constant 0 : i32
    %c0_i32_0 = arith.constant 0 : i32
    %c0_i32_1 = arith.constant 0 : i32
    %c0_i32_2 = arith.constant 0 : i32
    return %c0_i32, %c0_i32_0, %arg0, %c0_i32_1 : i32, i32, i32, i32
  }
  func.func @transform_2(%arg0: i32) -> (i32, i32) {
    %c0_i32 = arith.constant 0 : i32
    %c0_i32_0 = arith.constant 0 : i32
    return %arg0, %c0_i32 : i32, i32
  }
  func.func @transform_3(%arg0: i32) -> (i32, i32) {
    %c0_i32 = arith.constant 0 : i32
    %c0_i32_0 = arith.constant 0 : i32
    %c0_i32_1 = arith.constant 0 : i32
    return %c0_i32, %c0_i32_0 : i32, i32
  }
  func.func @transform_4(%arg0: i32) -> (i32, i32) {
    %c0_i32 = arith.constant 0 : i32
    %c0_i32_0 = arith.constant 0 : i32
    %c0_i32_1 = arith.constant 0 : i32
    return %c0_i32, %c0_i32_0 : i32, i32
  }
  func.func @transform_5(%arg0: i32) -> (i32, i32) {
    %c0_i32 = arith.constant 0 : i32
    %c0_i32_0 = arith.constant 0 : i32
    %c0_i32_1 = arith.constant 0 : i32
    return %c0_i32, %c0_i32_0 : i32, i32
  }
  func.func @transform_6(%arg0: i32) -> (i32, i32) {
    %c0_i32 = arith.constant 0 : i32
    %c0_i32_0 = arith.constant 0 : i32
    %c0_i32_1 = arith.constant 0 : i32
    return %c0_i32, %c0_i32_0 : i32, i32
  }
  func.func @transform_7(%arg0: i32) -> (i32, i32) {
    %c0_i32 = arith.constant 0 : i32
    %c0_i32_0 = arith.constant 0 : i32
    %c0_i32_1 = arith.constant 0 : i32
    return %c0_i32, %c0_i32_0 : i32, i32
  }
  func.func @transform_8(%arg0: i32) -> (i32, i32) {
    %c0_i32 = arith.constant 0 : i32
    %c0_i32_0 = arith.constant 0 : i32
    %c0_i32_1 = arith.constant 0 : i32
    return %c0_i32, %c0_i32_0 : i32, i32
  }
  func.func @transform_9(%arg0: i32) -> (i32, i32) {
    %c0_i32 = arith.constant 0 : i32
    %c0_i32_0 = arith.constant 0 : i32
    %c0_i32_1 = arith.constant 0 : i32
    return %c0_i32, %c0_i32_0 : i32, i32
  }
  func.func @transform_10(%arg0: i32) -> (i32, i32) {
    %c0_i32 = arith.constant 0 : i32
    %c0_i32_0 = arith.constant 0 : i32
    return %arg0, %c0_i32 : i32, i32
  }
}

</mosaic_0001>

<sc_bundles>
// kernel: kernel.5.cloned.1.call-start
scs
__scs_entry_jumppad:
0x0: {  	(pc) =	sbr.rel $0x88, $3  }
0x1: {  	(tag) =	ssettag $0x0;
	lr =	simm.s32 $0x1  }
0x2: {  	[smem:$0x3F95] =	sst lr;
	_ =	strace $0xD0000000  }
0x3: {  	_ = 	snop  }
0x4: {  	_ = 	snop  }
0x5: {  	_ = 	snop  }
0x6: {  	_ = 	snop  }
0x7: {  	_ = 	snop  }
__scs_overlays_trampoline_lowered:
0x8: {  	[smem:$0x3FA4] =	sst s0  }
0x9: {  	[smem:$0x3FA5] =	sst s1  }
0xa: {  	[smem:$0x3FA6] =	sst s2  }
0xb: {  	[smem:$0x3FA7] =	sst s3  }
0xc: {  	[smem:$0x3FA8] =	sst s4  }
0xd: {  	[smem:$0x3FA9] =	sst s5  }
0xe: {  	[smem:$0x3FAA] =	sst s6  }
0xf: {  	[smem:$0x3FAB] =	sst s7  }
0x10: {  	[smem:$0x3FAC] =	sst s8  }
0x11: {  	[smem:$0x3FAD] =	sst s9;
	s0 =	simm.s32 @!p0 $0x0  }
0x12: {  	s1 =	sld [smem:$0x3F93];
	s0 =	simm.s32 @p0 $0x1  }
0x13: {  	[smem:$0x3FAE] =	sst s0;
	s0 =	simm.s32 @!p1 $0x0  }
0x14: {  	s2 =	sld [smem:$0x3F92];
	s0 =	simm.s32 @p1 $0x1  }
0x15: {  	[smem:$0x3FAF] =	sst s0;
	s0 =	simm.s32 @!p2 $0x0  }
0x16: {  	s3 =	sld [smem:$0x3FDB];
	s0 =	simm.s32 @p2 $0x1  }
0x17: {  	s4 =	simm.s32 $0x1BF5;
	[smem:$0x3FB1] =	sst s0  }
0x18: {  	s0 =	sld [smem:$0x3F94];
	_ =	swait.ge [sflag:s4], $0x0  }
0x19: {  	s7 =	sld [smem:$0x3F95]  }
0x1a: {  	s8 =	sadd.s32 $0xFFFFE003, lr  }
0x1b: {  	s9 =	sadd.s32 $0xFFFFFEF7, lr;
	s5 =	simm.s32 $0xFFFFFFFF;
	p2 =	slt.u32 s8, $0xFFFFF086  }
0x1c: {  	p1 =	slt.u32 s9, $0xF7A;
	s5 =	simm.s32 @!p2 $0x0  }
0x1d: {  	s5 =	simm.s32 @p1 $0x1;
	p0 =	seq.s32 s7, s2  }
0x1e: {  	s7 =	smul.u32 @!p0 $0xF7A, s2;
	p2 =	seq.s32 @!p0 s5, $0x0  }
0x1f: {  	s9 =	smul.u32 $0xF7A, s1;
	s8 =	simm.s32 @!p0 $0x1BF5;
	p2 =	por !p2, p0  }
0x20: {  	[sflag:s8] =	ssyncset.s32 @!p0 $0xFFFFF086;
	s6 =	sadd.s32 @!p0 s3, s7;
	s7 =	simm.s32 @!p0 $0x108  }
0x21: {  	s3 =	sadd.s32 s3, s9;
	s6 =	sadd.s32 @!p0 $0x88, s6;
	s7 =	simm.s32 @p2 $0x1082  }
0x22: {  	[simem:s7], [sflag:s8] =	dma.local @!p0 [hbm:s6], $0xF7A  }
0x23: {  	s9 =	sor.u32 $0xD0000000, s2;
	s6 =	simm.s32 $0x108;
	_ =	swait.ge @!p0 [sflag:s8], $0x0  }
0x24: {  	s3 =	sadd.s32 $0x88, s3;
	s6 =	simm.s32 @!p1 $0x1082;
	[sflag:s4] =	ssyncset.s32 $0xFFFFF086  }
0x25: {  	[simem:s6], [sflag:s4] =	dma.local [hbm:s3], $0xF7A  }
0x26: {  	[smem:$0x3F95] =	sst s1;
	(tag) =	ssettag s2;
	_ =	strace s9  }
0x27: {  	s1 =	sld [smem:$0x3FA5]  }
0x28: {  	s2 =	sld [smem:$0x3FA6]  }
0x29: {  	s4 =	sld [smem:$0x3FA8]  }
0x2a: {  	p0 =	seq.s32 s5, $0x0;
	s5 =	sld [smem:$0x3FA9]  }
0x2b: {  	s6 =	sld [smem:$0x3FAA]  }
0x2c: {  	s7 =	sld [smem:$0x3FAB]  }
0x2d: {  	s3 =	simm.s32 $0x108;
	s8 =	sld [smem:$0x3FAC]  }
0x2e: {  	s3 =	simm.s32 @!p0 $0x1082;
	s9 =	sld [smem:$0x3FAD]  }
0x2f: {  	lr =	sadd.s32 s0, s3;
	s0 =	sld [smem:$0x3FA4]  }
0x30: {  	s3 =	sld [smem:$0x3FA7]  }
0x31: {  	[smem:$0x3FB0] =	sst s10  }
0x32: {  	s10 =	sld [smem:$0x3FAE];
	_ =	sdelay $0x3  }
0x33: {  	p0 =	seq.s32 s10, $0x1;
	s10 =	sld [smem:$0x3FB0];
	_ =	sdelay $0x3  }
0x34: {  	[smem:$0x3FB0] =	sst s10  }
0x35: {  	s10 =	sld [smem:$0x3FAF];
	_ =	sdelay $0x3  }
0x36: {  	p1 =	seq.s32 s10, $0x1;
	s10 =	sld [smem:$0x3FB0];
	_ =	sdelay $0x3  }
0x37: {  	[smem:$0x3FB0] =	sst s10  }
0x38: {  	s10 =	sld [smem:$0x3FB1]  }
0x39: {  	_ = 	snop;
	(pc) =	sbr.ind lr, $3  }
0x3a: {  	_ = 	snop  }
0x3b: {  	_ = 	snop  }
0x3c: {  	p2 =	seq.s32 s10, $0x1;
	s10 =	sld [smem:$0x3FB0]  }
0x3d: {  	_ =	shalt  }
0x3e: {  	_ =	shalt  }
0x3f: {  	_ =	shalt  }
0x40: {  	_ =	shalt  }
0x41: {  	_ =	shalt  }
0x42: {  	_ =	shalt  }
0x43: {  	_ =	shalt  }
0x44: {  	_ =	shalt  }
0x45: {  	_ =	shalt  }
0x46: {  	_ =	shalt  }
0x47: {  	_ =	shalt  }
0x48: {  	_ =	shalt  }
0x49: {  	_ =	shalt  }
0x4a: {  	_ =	shalt  }
0x4b: {  	_ =	shalt  }
0x4c: {  	_ =	shalt  }
0x4d: {  	_ =	shalt  }
0x4e: {  	_ =	shalt  }
0x4f: {  	_ =	shalt  }
0x50: {  	_ =	shalt  }
0x51: {  	_ =	shalt  }
0x52: {  	_ =	shalt  }
0x53: {  	_ =	shalt  }
0x54: {  	_ =	shalt  }
0x55: {  	_ =	shalt  }
0x56: {  	_ =	shalt  }
0x57: {  	_ =	shalt  }
0x58: {  	_ =	shalt  }
0x59: {  	_ =	shalt  }
0x5a: {  	_ =	shalt  }
0x5b: {  	_ =	shalt  }
0x5c: {  	_ =	shalt  }
0x5d: {  	_ =	shalt  }
0x5e: {  	_ =	shalt  }
0x5f: {  	_ =	shalt  }
0x60: {  	_ =	shalt  }
0x61: {  	_ =	shalt  }
0x62: {  	_ =	shalt  }
0x63: {  	_ =	shalt  }
0x64: {  	_ =	shalt  }
0x65: {  	_ =	shalt  }
0x66: {  	_ =	shalt  }
0x67: {  	_ =	shalt  }
0x68: {  	_ =	shalt  }
0x69: {  	_ =	shalt  }
0x6a: {  	_ =	shalt  }
0x6b: {  	_ =	shalt  }
0x6c: {  	_ =	shalt  }
0x6d: {  	_ =	shalt  }
0x6e: {  	_ =	shalt  }
0x6f: {  	_ =	shalt  }
0x70: {  	_ =	shalt  }
0x71: {  	_ =	shalt  }
0x72: {  	_ =	shalt  }
0x73: {  	_ =	shalt  }
0x74: {  	_ =	shalt  }
0x75: {  	_ =	shalt  }
0x76: {  	_ =	shalt  }
0x77: {  	_ =	shalt  }
0x78: {  	_ =	shalt  }
0x79: {  	_ =	shalt  }
0x7a: {  	_ =	shalt  }
0x7b: {  	_ =	shalt  }
0x7c: {  	_ =	shalt  }
0x7d: {  	_ =	shalt  }
0x7e: {  	_ =	shalt  }
0x7f: {  	_ =	shalt  }
0x80: {  	_ =	shalt  }
0x81: {  	_ =	shalt  }
0x82: {  	_ =	shalt  }
0x83: {  	_ =	shalt  }
0x84: {  	_ =	shalt  }
0x85: {  	_ =	shalt  }
0x86: {  	_ =	shalt  }
0x87: {  	_ =	shalt  }
.Lfunc_end0:
.L_simem_size_0:
called_computation_lowered:
.L_overlay_start_0:
0x88: {  	s2 =	sld [smem:$0x3FD9]  }
0x89: {  	s3 =	sld [smem:$0x3FFE];
	_ =	sdelay $0x1  }
0x8a: {  	s1 =	srdreg.scid  }
0x8b: {  	s0 =	sand.u32 $0x1, s1  }
0x8c: {  	s16 =	sshll.u32 s0, $0xA;
	s2 =	sadd.s32 s3, s2  }
0x8d: {  	s2 =	sadd.s32 s2, s16  }
0x8e: {  	[smem:$0x3FBC] =	sst s2  }
0x8f: {  	_ = 	snop  }
0x90: {  	(tm) =	ssettm $0x1  }
0x91: {  	s17 =	sld [smem:$0x3FFB];
	_ =	sdelay $0x3  }
0x92: {  	_ =	strace s17  }
0x93: {  	s2 =	sld [smem:$0x3FFC];
	_ =	sdelay $0x3  }
0x94: {  	_ =	strace s2  }
0x95: {  	s2 =	sld [smem:$0x3FFD];
	_ =	sdelay $0x3  }
0x96: {  	_ =	strace s2  }
0x97: {  	_ =	strace $0x8FFFFFFF  }
0x98: {  	s18 =	sld [smem:$0x3FDB];
	_ =	sdelay $0x1  }
0x99: {  	s19 =	simm.s32 $_scs_section_size  }
0x9a: {  	s4 =	simm.s32 $_size__tile_overlayer_lowered;
	s5 =	simm.s32 $_tile_overlayer_lowered  }
0x9b: {  	s22 =	simm.s32 $0x1BFF;
	s21 =	sshll.u32 s5, $0x1;
	s2 =	sadd.s32 s19, s18  }
0x9c: {  	s6 =	simm.s32 $0x0;
	s20 =	sshll.u32 s4, $0x1;
	s4 =	sadd.s32 s21, s2  }
0x9d: {  	[timem:s6], [sflag:s22] =	dma.local [hbm:s4], s20  }
0x9e: {  	_ =	swait.ge [sflag:s22], s20  }
0x9f: {  	s3 =	ssub.s32 $0x0, s20;
	[sflag:s22] =	ssyncset.done $0x0  }
0xa0: {  	[sflag:s22] =	ssyncadd.s32 s3;
	_ =	sdelay $0x1  }
0xa1: {  	s23 =	simm.s32 $0x1B8B  }
0xa2: {  	_ =	swait.ge [sflag:s23], $0x1  }
0xa3: {  	[sflag:s23] =	ssyncset.done $0x0  }
0xa4: {  	s25 =	simm.s32 $0x1B8E;
	s24 =	sld [smem:$0x3FFE];
	[sflag:s23] =	ssyncadd.s32 $0xFFFFFFFF  }
0xa5: {  	s26 =	simm.s32 $execute0_lowered;
	[smem:$0x3FD2] =	sst s25  }
0xa6: {  	s4 =	sshll.u32 s26, $0x1;
	_ =	strace $0x80000046;
	[dreg:$0x1] =	wrdreg $0xFFFFFFFF  }
0xa7: {  	s28 =	simm.s32 $_size_execute0_lowered;
	s2 =	sadd.s32 s2, s4;
	[dreg:$0x0] =	wrdreg $0x0  }
0xa8: {  	s4 =	sshll.u32 s28, $0x1;
	[dreg:$0x2] =	wrdreg s2  }
0xa9: {  	[dreg:$0x3] =	wrdreg s4  }
0xaa: {  	[dreg:$0x4] =	wrdreg $0xC0  }
0xab: {  	_ =	task [dreg:s6], $0x5FFFF  }
0xac: {  	[dreg:$0x1] =	wrdreg $0xFFFFFFFF  }
0xad: {  	[dreg:$0x0] =	wrdreg $0x60  }
0xae: {  	[dreg:$0x2] =	wrdreg s24  }
0xaf: {  	[dreg:$0x3] =	wrdreg $0x0  }
0xb0: {  	[dreg:$0x4] =	wrdreg $0x140000  }
0xb1: {  	[dreg:$0x5] =	wrdreg $0x9  }
0xb2: {  	_ =	task.clear_ibuf [dreg:s6], $0x6FFFF;
	_ =	strace $0x90000046  }
0xb3: {  	s29 =	simm.s32 $0x9;
	_ =	strace $0x80000048  }
0xb4: {  	_ =	swait.ge [sflag:s29], $0x1  }
0xb5: {  	[sflag:s29] =	ssyncadd.s32 $0xFFFFFFFF  }
0xb6: {  	_ =	strace $0x90000048  }
0xb7: {  	_ =	sfence  }
0xb8: {  	s30 =	sld [smem:$0x0];
	_ =	sdelay $0x2  }
0xb9: {  	s31 =	sshll.u32 s1, $0xD;
	s1 =	sshrl.u32 s1, $0x2  }
0xba: {  	s3 =	sand.u32 $0x4000, s31;
	s1 =	sadd.s32 s1, s30  }
0xbb: {  	s0 =	sor.u32 s3, s0;
	s1 =	sshll.u32 s1, $0x11  }
0xbc: {  	s0 =	sor.u32 s1, s0  }
0xbd: {  	s0 =	sadd.s32 $0x8F2B, s0  }
0xbe: {  	[sflag:s0] =	ssyncadd.remote.s32 $0x1  }
0xbf: {  	_ =	sfence.sel $0xFFFF  }
0xc0: {  	[dreg:$0x0] =	wrdreg $0xFFFFFFFF;
	(pc) =	sbr.abs _section_cstart, $3  }
0xc1: {  	[dreg:$0x1] =	wrdreg $0xFFFFFFFF  }
0xc2: {  	_ =	task.clear_ibuf [dreg:s6], $0x2FFFF;
	_ =	strace $0x9FFFFFFF  }
0xc3: {  	(tm) =	ssettm $0x7FFFFFFF  }
tec
execute0_lowered:
.L_overlay_start_1:
0x0: {  	(tag) =	ssettag $0x1  }
0x1: {  	s0 =	rddreg [dreg:$0x0]  }
0x2: {  	s2 =	rddreg [dreg:$0x1]  }
0x3: {  	s3 =	rddreg [dreg:$0x2]  }
0x4: {  	s1 =	srdreg.scid;
	s17 =	stileid.u32  }
0x5: {  	s4 =	simm.s32 $0x0;
	s28 =	simm.s32 $0x15D80;
	s29 =	simm.s32 $0x2  }
0x6: {  	s30 =	simm.s32 $0x14A00;
	s31 =	simm.s32 $0x3;
	s6 =	smul.u32 $0x14000, s17  }
0x7: {  	s1 =	sand.u32 $0x1, s1;
	[smem:$0x7FF] =	sst s4;
	s10 =	smul.u32 $0xA00, s17  }
0x8: {  	s9 =	sadd.s32 $0xC9C00, s0;
	s5 =	ssub.s32 $0x2, s1;
	s8 =	smul.u32 $0x140000, s1  }
0x9: {  	p0 =	sne.s32 s1, $0x0;
	s7 =	sshrl.u32 s5, $0x1;
	s11 =	sadd.s32 $0x8000, s6  }
0xa: {  	s13 =	sadd.s32 $0xC000, s6;
	s20 =	sadd.s32 $0x10000, s6;
	s5 =	ssub.s32 s5, s7  }
0xb: {  	s7 =	sadd.s32 $0x4000, s6;
	s12 =	sadd.s32 s6, s8;
	s25 =	sadd.s32 s8, s11  }
0xc: {  	s15 =	sadd.s32 s8, s13;
	s12 =	sshrl.u32 s12, $0x3;
	s14 =	sadd.s32 s8, s7  }
0xd: {  	s26 =	sshrl.u32 s15, $0x3;
	s8 =	sadd.s32 s8, s20;
	s12 =	sadd.s32 s9, s12  }
0xe: {  	s24 =	sshrl.u32 s14, $0x3;
	s14 =	sor.u32 $0x2, s1;
	s8 =	sshrl.u32 s8, $0x3  }
0xf: {  	[dreg:$0x4] =	wrdreg s12;
	s12 =	sadd.s32 s9, s24;
	s16 =	smul.u32 $0x140000, s14  }
0x10: {  	s8 =	sadd.s32 s9, s8;
	[dreg:$0x5] =	wrdreg s12;
	s12 =	sshrl.u32 s25, $0x3  }
0x11: {  	[dreg:$0x8] =	wrdreg s8;
	s12 =	sadd.s32 s9, s12;
	s15 =	sadd.s32 s6, s16  }
0x12: {  	s19 =	sadd.s32 s7, s16;
	s22 =	sadd.s32 s11, s16;
	s24 =	sadd.s32 s13, s16  }
0x13: {  	[dreg:$0x6] =	wrdreg s12;
	s12 =	sadd.s32 s9, s26;
	s18 =	sshrl.u32 s15, $0x3  }
0x14: {  	s21 =	sshrl.u32 s19, $0x3;
	s23 =	sshrl.u32 s22, $0x3;
	s25 =	sshrl.u32 s24, $0x3  }
0x15: {  	s26 =	sadd.s32 s20, s16;
	s15 =	smul.u32 $0x9D0, s17;
	s16 =	sshrl.u32 s10, $0x3  }
0x16: {  	s22 =	sadd.s32 s11, s2;
	s17 =	sadd.s32 s20, s2;
	s20 =	smul.u32 $0x2800, s14  }
0x17: {  	s11 =	simm.s32 $0x0;
	[dreg:$0x7] =	wrdreg s12;
	s8 =	sadd.s32 s9, s18  }
0x18: {  	s12 =	sshrl.u32 s26, $0x3;
	s18 =	sadd.s32 s10, s3;
	s26 =	smax.u32 s5, $0x1  }
0x19: {  	s5 =	simm.s32 $0x80;
	[dreg:$0x9] =	wrdreg s8;
	s8 =	sadd.s32 s9, s21  }
0x1a: {  	s10 =	simm.s32 $0x1A780;
	[dreg:$0xa] =	wrdreg s8;
	s8 =	sadd.s32 s9, s23  }
0x1b: {  	s21 =	sadd.s32 s7, s2;
	[dreg:$0xb] =	wrdreg s8;
	s8 =	sadd.s32 s9, s25  }
0x1c: {  	s7 =	simm.s32 $0x14D00;
	s23 =	sadd.s32 s13, s2;
	[dreg:$0xc] =	wrdreg s8  }
0x1d: {  	s8 =	sadd.s32 s9, s12;
	s9 =	sadd.s32 s15, s0;
	s15 =	sadd.s32 $0xA1C00, s0  }
0x1e: {  	s12 =	smul.u32 $0x2800, s1;
	s1 =	simm.s32 $0x14B00;
	[dreg:$0xd] =	wrdreg s8  }
0x1f: {  	s8 =	sadd.s32 s16, s0;
	s16 =	sadd.s32 s6, s2;
	s24 =	sadd.s32 $0x1C00, s9  }
0x20: {  	s25 =	sadd.s32 $0x15800, s9;
	_ =	strace $0x80000047;
	[dreg:$0xe] =	wrdreg s17  }
0x21: {  	s0 =	simm.s32 $0x14A80;
	s6 =	simm.s32 $0x14B80;
	[dreg:$0xf] =	wrdreg s18  }
0x22: {  	v2 =	vimm.f32 $1.000000000e+00;
	s19 =	sadd.s32 $0x1F600, s8;
	[dreg:$0x11] =	wrdreg s26;
	s26 =	sadd.s32 $0xBA00, s9  }
0x23: {  	v3 =	vimm.f32 $0.0e+00;
	v1 =	vmov s20;
	v0 =	vmov s12;
	s8 =	simm.s32 $0x1;
	s9 =	simm.s32 $0x14C00;
	[dreg:$0x10] =	wrdreg s19  }
.LBB2_1:
0x24: {  	[tilespmem:$0x15D00] =	vst v2  }
0x25: {  	[tilespmem:$0x15D10] =	vst v2  }
0x26: {  	[tilespmem:$0x15D20] =	vst v2  }
0x27: {  	[tilespmem:$0x15D30] =	vst v2  }
0x28: {  	[tilespmem:$0x15D40] =	vst v2  }
0x29: {  	[tilespmem:$0x15D50] =	vst v2  }
0x2a: {  	[tilespmem:$0x15D60] =	vst v2  }
0x2b: {  	[tilespmem:$0x15D70] =	vst v2;
	s12 =	simm.s32 $0x0  }
.LBB2_2:
0x2c: {  	p1 =	sne.s32 s12, $0xFF80  }
.Ltmp0:
0x2d: {  	_ = 	snop;
	(pc) =	sbr.rel @p1 .LBB2_2-.Ltmp0, $4  }
0x2e: {  	_ = 	snop  }
0x2f: {  	s13 =	sshra.s32 s12, $0x2  }
0x30: {  	[tilespmem:s13+$0x15D80] =	vst v3  }
0x31: {  	s12 =	sadd.s32 $0x80, s12;
	[tilespmem:s13+$0x15D90] =	vst v3  }
0x32: {  	s12 =	simm.s32 $0x40;
	s13 =	simm.s32 $0x0  }
.LBB2_4:
0x33: {  	p1 =	sne.s32 s12, $0x27C0;
	[tilespmem:s13+$0x19D80] =	vst v3;
	s13 =	smov.u32 s12;
	s12 =	sadd.s32 $0x40, s12  }
.Ltmp1:
0x34: {  	(pc) =	sbr.rel @p1 .LBB2_4-.Ltmp1, $2  }
0x35: {  	_ =	sdelay $0x2  }
0x36: {  	s13 =	sshra.s32 s13, $0x2  }
0x37: {  	[tilespmem:s13+$0x19D80] =	vst v3  }
0x38: {  	[spmem:s16] =	stream.linear.scatter [tilespmem:s28], [sflag:$0x2], $0x4000, $0x38;
	[tilespmem:$0x1F180] =	vst v63  }
0x39: {  	_ =	swait.ge [sflag:s29], $0x4000  }
0x3a: {  	[sflag:s29] =	ssyncset.done $0x0  }
0x3b: {  	[sflag:s29] =	ssyncadd.s32 $0xFFFFC000  }
0x3c: {  	[spmem:s21] =	stream.linear.scatter [tilespmem:s28], [sflag:$0x2], $0x4000, $0x38;
	[tilespmem:$0x1F180] =	vst v63  }
0x3d: {  	_ =	swait.ge [sflag:s29], $0x4000  }
0x3e: {  	[sflag:s29] =	ssyncset.done $0x0  }
0x3f: {  	[sflag:s29] =	ssyncadd.s32 $0xFFFFC000  }
0x40: {  	[spmem:s22] =	stream.linear.scatter [tilespmem:s28], [sflag:$0x2], $0x4000, $0x38;
	[tilespmem:$0x1F180] =	vst v63  }
0x41: {  	_ =	swait.ge [sflag:s29], $0x4000  }
0x42: {  	[sflag:s29] =	ssyncset.done $0x0  }
0x43: {  	[sflag:s29] =	ssyncadd.s32 $0xFFFFC000  }
0x44: {  	[spmem:s23] =	stream.linear.scatter [tilespmem:s28], [sflag:$0x2], $0x4000, $0x38;
	[tilespmem:$0x1F180] =	vst v63  }
0x45: {  	_ =	swait.ge [sflag:s29], $0x4000  }
0x46: {  	[sflag:s29] =	ssyncset.done $0x0  }
0x47: {  	s12 =	rddreg [dreg:$0xe];
	[sflag:s29] =	ssyncadd.s32 $0xFFFFC000  }
0x48: {  	[spmem:s12] =	stream.linear.scatter [tilespmem:s28], [sflag:$0x2], $0x4000, $0x38;
	[tilespmem:$0x1F180] =	vst v63  }
0x49: {  	_ =	swait.ge [sflag:s29], $0x4000  }
0x4a: {  	[sflag:s29] =	ssyncset.done $0x0  }
0x4b: {  	s12 =	simm.s32 @!p0 $0x19D80;
	s13 =	rddreg [dreg:$0xf];
	[sflag:s29] =	ssyncadd.s32 $0xFFFFC000  }
0x4c: {  	[spmem:s13] =	stream.linear.scatter @!p0 [tilespmem:s12], [sflag:$0x2], $0xA00, $0x38;
	[tilespmem:$0x1F180] =	vst v63  }
0x4d: {  	s12 =	simm.s32 @!p0 $0x2  }
0x4e: {  	_ =	swait.ge @!p0 [sflag:s12], $0xA00  }
0x4f: {  	[sflag:s12] =	ssyncset.done @!p0 $0x0  }
0x50: {  	[sflag:s12] =	ssyncadd.s32 @!p0 $0xFFFFF600  }
0x51: {  	s18 =	smov.u32 s21;
	s21 =	sadd.s32 $0x0, s26;
	[bflag:$0x0] =	sbarrier.arrive $0xFFFF  }
0x52: {  	[tilespmem:s30], [sflag:$0x3] =	stream.linear.gather [hbm4b:s21+s4], $0x80, $0x38;
	[tilespmem:$0x1F180] =	vst v63  }
0x53: {  	_ =	swait.ge [sflag:s31], $0x80  }
0x54: {  	[sflag:s31] =	ssyncset.done $0x0  }
0x55: {  	s19 =	smov.u32 s22;
	s22 =	sadd.s32 $0x0, s25;
	[sflag:s31] =	ssyncadd.s32 $0xFFFFFF80  }
0x56: {  	[tilespmem:s0], [sflag:$0x3] =	stream.linear.gather [hbm4b:s22+s4], $0x80, $0x38;
	[tilespmem:$0x1F180] =	vst v63  }
0x57: {  	_ =	swait.ge [sflag:s31], $0x80  }
0x58: {  	[sflag:s31] =	ssyncset.done $0x0  }
0x59: {  	s20 =	smov.u32 s23;
	s23 =	sadd.s32 $0x0, s24;
	[sflag:s31] =	ssyncadd.s32 $0xFFFFFF80  }
0x5a: {  	[tilespmem:s1], [sflag:$0x3] =	stream.linear.gather [hbm4b:s23+s4], $0x80, $0x38;
	[tilespmem:$0x1F180] =	vst v63  }
0x5b: {  	_ =	swait.ge [sflag:s31], $0x80  }
0x5c: {  	[sflag:s31] =	ssyncset.done $0x0  }
0x5d: {  	[sflag:s31] =	ssyncadd.s32 $0xFFFFFF80  }
0x5e: {  	v7 =	vld [tilespmem:$0x14A20]  }
0x5f: {  	v6 =	vld [tilespmem:$0x14A90]  }
0x60: {  	v11 =	vld [tilespmem:$0x14A10]  }
0x61: {  	v8 =	vld [tilespmem:$0x14B70]  }
0x62: {  	v4 =	vld [tilespmem:$0x14B60]  }
0x63: {  	v5 =	vld [tilespmem:$0x14AE0]  }
0x64: {  	v10 =	vld [tilespmem:$0x14AF0]  }
0x65: {  	s17 =	smov.u32 s16;
	s13 =	simm.s32 $0x10;
	v9 =	vld [tilespmem:$0x14A30]  }
.LBB2_6:
0x66: {  	v12 =	vld [tilespmem:$0x14A40];
	v13 =	vmul.u32 $0x2800, v8;
	s14 =	smov.u32 s13;
	s13 =	sadd.s32 $0x10, s13  }
0x67: {  	p1 =	sne.s32 s13, $0x9D0;
	v14 =	vld [tilespmem:$0x14B10];
	v15 =	vmul.u32 $0x2800, v4  }
0x68: {  	v11 =	vadd.s32 v0, v11;
	v16 =	vld [tilespmem:$0x14B20]  }
0x69: {  	v7 =	vadd.s32 v0, v7;
	[tilespmem:$0x14B90] =	vst v11;
	v11 =	vld [tilespmem:$0x14AA0];
	v15 =	vadd.s32 v5, v15;
	v17 =	vshll.u32 v10, $0x2  }
0x6a: {  	v10 =	vadd.s32 v10, v13;
	v18 =	vld [tilespmem:$0x14A00];
	v9 =	vadd.s32 v0, v9;
	[tilespmem:$0x14C60] =	vst v15;
	v8 =	vadd.s32 v8, v17  }
0x6b: {  	v13 =	vshll.u32 v6, $0x2;
	v12 =	vadd.s32 v0, v12;
	v15 =	vld [tilespmem:$0x14A50];
	[tilespmem:$0x14CF0] =	vst v8  }
0x6c: {  	v8 =	vmul.u32 $0x2800, v14;
	v13 =	vadd.s32 v14, v13;
	v14 =	vld [tilespmem:$0x14A60];
	[tilespmem:$0x14C70] =	vst v10  }
0x6d: {  	[tilespmem:$0x14BA0] =	vst v7;
	v7 =	vmul.u32 $0x2800, v16;
	v10 =	vld [tilespmem:$0x14AC0]  }
0x6e: {  	v6 =	vadd.s32 v6, v8;
	[tilespmem:$0x14C90] =	vst v13;
	v8 =	vshll.u32 v11, $0x2;
	v13 =	vld [tilespmem:$0x14B40]  }
0x6f: {  	v17 =	vadd.s32 v0, v18;
	[tilespmem:$0x14C10] =	vst v6;
	v6 =	vadd.s32 v11, v7;
	v7 =	vadd.s32 v16, v8;
	v8 =	vld [tilespmem:$0x14A70]  }
0x70: {  	[tilespmem:$0x14BB0] =	vst v9;
	v9 =	vadd.s32 v0, v15  }
0x71: {  	[tilespmem:$0x14B80] =	vst v17;
	v11 =	vadd.s32 v0, v14  }
0x72: {  	[tilespmem:$0x14C20] =	vst v6;
	v6 =	vshll.u32 v10, $0x2;
	v14 =	vld [tilespmem:$0x14AD0]  }
0x73: {  	v15 =	vld [tilespmem:$0x14AB0];
	[tilespmem:$0x14BC0] =	vst v12;
	v12 =	vmul.u32 $0x2800, v13;
	v6 =	vadd.s32 v13, v6  }
0x74: {  	[tilespmem:$0x14CA0] =	vst v7;
	v7 =	vld [tilespmem:$0x14B30];
	v8 =	vadd.s32 v0, v8  }
0x75: {  	v13 =	vld [tilespmem:$0x14B00];
	v10 =	vadd.s32 v10, v12;
	[tilespmem:$0x14BD0] =	vst v9  }
0x76: {  	v9 =	vld [tilespmem:$0x14A80];
	[tilespmem:$0x14CC0] =	vst v6  }
0x77: {  	[tilespmem:$0x14C40] =	vst v10;
	v6 =	vld [tilespmem:$0x14B50]  }
0x78: {  	v5 =	vshll.u32 v5, $0x2;
	v10 =	vshll.u32 v15, $0x2;
	[tilespmem:$0x14BF0] =	vst v8  }
0x79: {  	v4 =	vadd.s32 v4, v5;
	v8 =	vadd.s32 v7, v10;
	[tilespmem:$0x14BE0] =	vst v11  }
0x7a: {  	v5 =	vmul.u32 $0x2800, v13;
	[tilespmem:$0x14CE0] =	vst v4  }
0x7b: {  	v7 =	vmul.u32 $0x2800, v7;
	v10 =	vshll.u32 v14, $0x2;
	v4 =	vshll.u32 v9, $0x2  }
0x7c: {  	v5 =	vadd.s32 v9, v5;
	v4 =	vadd.s32 v13, v4;
	[tilespmem:$0x14CB0] =	vst v8;
	v8 =	vmul.u32 $0x2800, v6  }
0x7d: {  	v6 =	vadd.s32 v6, v10;
	[tilespmem:$0x14C00] =	vst v5;
	v5 =	vadd.s32 v15, v7  }
0x7e: {  	[tilespmem:$0x14C30] =	vst v5;
	v5 =	vadd.s32 v14, v8  }
0x7f: {  	[tilespmem:$0x14C50] =	vst v5  }
0x80: {  	[tilespmem:$0x14CD0] =	vst v6  }
0x81: {  	[tilespmem:$0x14C80] =	vst v4  }
0x82: {  	[tilespmem:s7], [sflag:$0x1] =	stream.indirect.gather [hbm4b:s15+s5], $0x20, s6, s5, $0xb8;
	[tilespmem:$0x1F180] =	vst v63  }
0x83: {  	_ =	swait.ge [sflag:s8], $0x1000  }
0x84: {  	[sflag:s8] =	ssyncset.done $0x0  }
0x85: {  	[sflag:s8] =	ssyncadd.s32 $0xFFFFF000  }
0x86: {  	[spmem:s2] =	stream.indirect.scatter.add.f32 [tilespmem:s7], [sflag:$0x3], $0x20, s9, s5, $0xb8;
	[tilespmem:$0x1F180] =	vst v63  }
0x87: {  	_ =	swait.ge [sflag:s31], $0x1000  }
0x88: {  	s22 =	simm.s32 @!p0 $0x15D00;
	[sflag:s31] =	ssyncset.done $0x0  }
0x89: {  	s23 =	simm.s32 @!p0 $0x80;
	s21 =	simm.s32 @!p0 $0x14C80;
	[sflag:s31] =	ssyncadd.s32 $0xFFFFF000  }
0x8a: {  	[spmem:s3] =	stream.indirect.scatter.add.f32 @!p0 [tilespmem:s22], [sflag:$0x2], $0x1, s21, s23, $0xb8;
	[tilespmem:$0x1F180] =	vst v63  }
0x8b: {  	_ =	swait.ge @!p0 [sflag:s12], $0x80  }
0x8c: {  	[sflag:s12] =	ssyncset.done @!p0 $0x0  }
0x8d: {  	s16 =	sadd.s32 s14, s26;
	[sflag:s12] =	ssyncadd.s32 @!p0 $0xFFFFFF80  }
0x8e: {  	[tilespmem:s30], [sflag:$0x3] =	stream.linear.gather [hbm4b:s16+s4], $0x80, $0x38;
	[tilespmem:$0x1F180] =	vst v63  }
0x8f: {  	_ =	swait.ge [sflag:s31], $0x80  }
0x90: {  	[sflag:s31] =	ssyncset.done $0x0  }
0x91: {  	s16 =	sadd.s32 s14, s25;
	[sflag:s31] =	ssyncadd.s32 $0xFFFFFF80  }
0x92: {  	[tilespmem:s0], [sflag:$0x3] =	stream.linear.gather [hbm4b:s16+s4], $0x80, $0x38;
	[tilespmem:$0x1F180] =	vst v63  }
0x93: {  	_ =	swait.ge [sflag:s31], $0x80  }
0x94: {  	[sflag:s31] =	ssyncset.done $0x0  }
0x95: {  	s14 =	sadd.s32 s14, s24;
	[sflag:s31] =	ssyncadd.s32 $0xFFFFFF80  }
0x96: {  	[tilespmem:s1], [sflag:$0x3] =	stream.linear.gather [hbm4b:s14+s4], $0x80, $0x38;
	[tilespmem:$0x1F180] =	vst v63  }
0x97: {  	_ =	swait.ge [sflag:s31], $0x80  }
0x98: {  	[sflag:s31] =	ssyncset.done $0x0  }
0x99: {  	[sflag:s31] =	ssyncadd.s32 $0xFFFFFF80  }
0x9a: {  	v7 =	vld [tilespmem:$0x14A20]  }
0x9b: {  	v6 =	vld [tilespmem:$0x14A90]  }
0x9c: {  	v11 =	vld [tilespmem:$0x14A10]  }
.Ltmp2:
0x9d: {  	v8 =	vld [tilespmem:$0x14B70];
	(pc) =	sbr.rel @p1 .LBB2_6-.Ltmp2, $4  }
0x9e: {  	v4 =	vld [tilespmem:$0x14B60]  }
0x9f: {  	v5 =	vld [tilespmem:$0x14AE0]  }
0xa0: {  	v10 =	vld [tilespmem:$0x14AF0]  }
0xa1: {  	v9 =	vld [tilespmem:$0x14A30]  }
0xa2: {  	_ = 	snop  }
0xa3: {  	v11 =	vadd.s32 v0, v11;
	v13 =	vmul.u32 $0x2800, v4  }
0xa4: {  	v12 =	vld [tilespmem:$0x14B10];
	v15 =	vmul.u32 $0x2800, v8;
	v7 =	vadd.s32 v0, v7;
	[tilespmem:$0x14B90] =	vst v11  }
0xa5: {  	v14 =	vld [tilespmem:$0x14A40];
	[tilespmem:$0x14BA0] =	vst v7;
	v11 =	vadd.s32 v5, v13  }
0xa6: {  	v16 =	vld [tilespmem:$0x14B20];
	v13 =	vshll.u32 v10, $0x2;
	v10 =	vadd.s32 v10, v15;
	[tilespmem:$0x14C60] =	vst v11  }
0xa7: {  	v8 =	vadd.s32 v8, v13;
	v11 =	vld [tilespmem:$0x14A00];
	[tilespmem:$0x14C70] =	vst v10  }
0xa8: {  	v5 =	vshll.u32 v5, $0x2;
	v9 =	vadd.s32 v0, v9;
	[tilespmem:$0x14CF0] =	vst v8;
	v8 =	vld [tilespmem:$0x14AA0]  }
0xa9: {  	v7 =	vld [tilespmem:$0x14AC0];
	v13 =	vshll.u32 v6, $0x2;
	v4 =	vadd.s32 v4, v5;
	v15 =	vmul.u32 $0x2800, v12;
	[tilespmem:$0x14BB0] =	vst v9  }
0xaa: {  	v10 =	vld [tilespmem:$0x14A50];
	v12 =	vadd.s32 v12, v13;
	[tilespmem:$0x14CE0] =	vst v4  }
0xab: {  	v13 =	vld [tilespmem:$0x14B40];
	[tilespmem:$0x14C90] =	vst v12;
	v12 =	vmul.u32 $0x2800, v16;
	v6 =	vadd.s32 v6, v15  }
0xac: {  	[tilespmem:$0x14C10] =	vst v6;
	v6 =	vld [tilespmem:$0x14A60];
	v11 =	vadd.s32 v0, v11  }
0xad: {  	v9 =	vadd.s32 v8, v12;
	v12 =	vld [tilespmem:$0x14A70];
	[tilespmem:$0x14B80] =	vst v11  }
0xae: {  	v11 =	vadd.s32 v0, v14;
	v8 =	vshll.u32 v8, $0x2;
	[tilespmem:$0x14C20] =	vst v9;
	v9 =	vld [tilespmem:$0x14AB0]  }
0xaf: {  	v14 =	vshll.u32 v7, $0x2;
	v8 =	vadd.s32 v16, v8;
	[tilespmem:$0x14BC0] =	vst v11;
	v11 =	vld [tilespmem:$0x14B30]  }
0xb0: {  	v15 =	vmul.u32 $0x2800, v13;
	v13 =	vadd.s32 v13, v14;
	[tilespmem:$0x14CA0] =	vst v8;
	v8 =	vld [tilespmem:$0x14B00]  }
0xb1: {  	v10 =	vadd.s32 v0, v10;
	[tilespmem:$0x14CC0] =	vst v13;
	v13 =	vld [tilespmem:$0x14B50]  }
0xb2: {  	[tilespmem:$0x14BD0] =	vst v10;
	v10 =	vld [tilespmem:$0x14A80];
	v7 =	vadd.s32 v7, v15  }
0xb3: {  	[tilespmem:$0x14C40] =	vst v7;
	v7 =	vld [tilespmem:$0x14AD0];
	v12 =	vadd.s32 v0, v12  }
0xb4: {  	v6 =	vadd.s32 v0, v6;
	[tilespmem:$0x14BF0] =	vst v12;
	v12 =	vshll.u32 v9, $0x2;
	v4 =	vmul.u32 $0x2800, v11  }
0xb5: {  	[tilespmem:$0x14BE0] =	vst v6;
	v5 =	vmul.u32 $0x2800, v8;
	v6 =	vadd.s32 v11, v12  }
0xb6: {  	[tilespmem:$0x14CB0] =	vst v6;
	v6 =	vmul.u32 $0x2800, v13;
	v4 =	vadd.s32 v9, v4  }
0xb7: {  	v5 =	vadd.s32 v10, v5;
	[tilespmem:$0x14C30] =	vst v4  }
0xb8: {  	[tilespmem:$0x14C00] =	vst v5;
	v5 =	vshll.u32 v7, $0x2;
	v4 =	vadd.s32 v7, v6  }
0xb9: {  	v6 =	vshll.u32 v10, $0x2;
	v5 =	vadd.s32 v13, v5;
	[tilespmem:$0x14C50] =	vst v4  }
0xba: {  	v4 =	vadd.s32 v8, v6;
	[tilespmem:$0x14CD0] =	vst v5  }
0xbb: {  	[tilespmem:$0x14C80] =	vst v4  }
0xbc: {  	[tilespmem:s7], [sflag:$0x1] =	stream.indirect.gather [hbm4b:s15+s5], $0x20, s6, s5, $0xb8;
	[tilespmem:$0x1F180] =	vst v63  }
0xbd: {  	_ =	swait.ge [sflag:s8], $0x1000  }
0xbe: {  	[sflag:s8] =	ssyncset.done $0x0  }
0xbf: {  	[sflag:s8] =	ssyncadd.s32 $0xFFFFF000  }
0xc0: {  	[spmem:s2] =	stream.indirect.scatter.add.f32 [tilespmem:s7], [sflag:$0x3], $0x20, s9, s5, $0xb8;
	[tilespmem:$0x1F180] =	vst v63  }
0xc1: {  	_ =	swait.ge [sflag:s31], $0x1000  }
0xc2: {  	[sflag:s31] =	ssyncset.done $0x0  }
0xc3: {  	[sflag:s31] =	ssyncadd.s32 $0xFFFFF000  }
0xc4: {  	[spmem:s3] =	stream.indirect.scatter.add.f32 @!p0 [tilespmem:s22], [sflag:$0x2], $0x1, s21, s23, $0xb8;
	[tilespmem:$0x1F180] =	vst v63  }
0xc5: {  	_ =	swait.ge @!p0 [sflag:s12], $0x80  }
0xc6: {  	[sflag:s12] =	ssyncset.done @!p0 $0x0  }
0xc7: {  	[sflag:s12] =	ssyncadd.s32 @!p0 $0xFFFFFF80  }
0xc8: {  	[bflag:$0x0] =	sbarrier.arrive $0xFFFF  }
0xc9: {  	[tilespmem:s10], [sflag:$0x2] =	stream.linear.gather [spmem:s17], $0x4000, $0x38;
	[tilespmem:$0x1F180] =	vst v63  }
0xca: {  	_ =	swait.ge [sflag:s29], $0x4000  }
0xcb: {  	[sflag:s29] =	ssyncset.done $0x0  }
0xcc: {  	s21 =	rddreg [dreg:$0x4];
	[sflag:s29] =	ssyncadd.s32 $0xFFFFC000  }
0xcd: {  	[hbm4b:s21+s4] =	stream.linear.scatter [tilespmem:s10], [sflag:$0x2], $0x4000, $0x38;
	[tilespmem:$0x1F180] =	vst v63  }
0xce: {  	_ =	swait.ge [sflag:s29], $0x4000  }
0xcf: {  	[sflag:s29] =	ssyncset.done $0x0  }
0xd0: {  	[sflag:s29] =	ssyncadd.s32 $0xFFFFC000  }
0xd1: {  	[tilespmem:s10], [sflag:$0x2] =	stream.linear.gather [spmem:s18], $0x4000, $0x38;
	[tilespmem:$0x1F180] =	vst v63  }
0xd2: {  	_ =	swait.ge [sflag:s29], $0x4000  }
0xd3: {  	[sflag:s29] =	ssyncset.done $0x0  }
0xd4: {  	s22 =	rddreg [dreg:$0x5];
	[sflag:s29] =	ssyncadd.s32 $0xFFFFC000  }
0xd5: {  	[hbm4b:s22+s4] =	stream.linear.scatter [tilespmem:s10], [sflag:$0x2], $0x4000, $0x38;
	[tilespmem:$0x1F180] =	vst v63  }
0xd6: {  	_ =	swait.ge [sflag:s29], $0x4000  }
0xd7: {  	[sflag:s29] =	ssyncset.done $0x0  }
0xd8: {  	[sflag:s29] =	ssyncadd.s32 $0xFFFFC000  }
0xd9: {  	[tilespmem:s10], [sflag:$0x2] =	stream.linear.gather [spmem:s19], $0x4000, $0x38;
	[tilespmem:$0x1F180] =	vst v63  }
0xda: {  	_ =	swait.ge [sflag:s29], $0x4000  }
0xdb: {  	[sflag:s29] =	ssyncset.done $0x0  }
0xdc: {  	s23 =	rddreg [dreg:$0x6];
	[sflag:s29] =	ssyncadd.s32 $0xFFFFC000  }
0xdd: {  	[hbm4b:s23+s4] =	stream.linear.scatter [tilespmem:s10], [sflag:$0x2], $0x4000, $0x38;
	[tilespmem:$0x1F180] =	vst v63  }
0xde: {  	_ =	swait.ge [sflag:s29], $0x4000  }
0xdf: {  	[sflag:s29] =	ssyncset.done $0x0  }
0xe0: {  	[sflag:s29] =	ssyncadd.s32 $0xFFFFC000  }
0xe1: {  	[tilespmem:s10], [sflag:$0x2] =	stream.linear.gather [spmem:s20], $0x4000, $0x38;
	[tilespmem:$0x1F180] =	vst v63  }
0xe2: {  	_ =	swait.ge [sflag:s29], $0x4000  }
0xe3: {  	[sflag:s29] =	ssyncset.done $0x0  }
0xe4: {  	s13 =	rddreg [dreg:$0x7];
	[sflag:s29] =	ssyncadd.s32 $0xFFFFC000  }
0xe5: {  	[hbm4b:s13+s4] =	stream.linear.scatter [tilespmem:s10], [sflag:$0x2], $0x4000, $0x38;
	[tilespmem:$0x1F180] =	vst v63  }
0xe6: {  	_ =	swait.ge [sflag:s29], $0x4000  }
0xe7: {  	[sflag:s29] =	ssyncset.done $0x0  }
0xe8: {  	s16 =	smov.u32 s17;
	s17 =	rddreg [dreg:$0xe];
	[sflag:s29] =	ssyncadd.s32 $0xFFFFC000  }
0xe9: {  	[tilespmem:s10], [sflag:$0x2] =	stream.linear.gather [spmem:s17], $0x4000, $0x38;
	[tilespmem:$0x1F180] =	vst v63  }
0xea: {  	_ =	swait.ge [sflag:s29], $0x4000  }
0xeb: {  	[sflag:s29] =	ssyncset.done $0x0  }
0xec: {  	s14 =	rddreg [dreg:$0x8];
	[sflag:s29] =	ssyncadd.s32 $0xFFFFC000  }
0xed: {  	[hbm4b:s14+s4] =	stream.linear.scatter [tilespmem:s10], [sflag:$0x2], $0x4000, $0x38;
	[tilespmem:$0x1F180] =	vst v63  }
0xee: {  	_ =	swait.ge [sflag:s29], $0x4000  }
0xef: {  	[sflag:s29] =	ssyncset.done $0x0  }
0xf0: {  	s12 =	simm.s32 @!p0 $0x1E780;
	s13 =	rddreg [dreg:$0xf];
	[sflag:s29] =	ssyncadd.s32 $0xFFFFC000  }
0xf1: {  	[tilespmem:s12], [sflag:$0x2] =	stream.linear.gather @!p0 [spmem:s13], $0xA00, $0x38;
	[tilespmem:$0x1F180] =	vst v63  }
0xf2: {  	s13 =	simm.s32 @!p0 $0x2  }
0xf3: {  	_ =	swait.ge @!p0 [sflag:s13], $0xA00  }
0xf4: {  	s21 =	smov.u32 s18;
	[sflag:s13] =	ssyncset.done @!p0 $0x0  }
0xf5: {  	s14 =	simm.s32 @!p0 $0x0;
	s18 =	rddreg [dreg:$0x10];
	[sflag:s13] =	ssyncadd.s32 @!p0 $0xFFFFF600  }
0xf6: {  	[hbm4b:s18+s14] =	stream.linear.scatter @!p0 [tilespmem:s12], [sflag:$0x2], $0xA00, $0x38;
	[tilespmem:$0x1F180] =	vst v63  }
0xf7: {  	_ =	swait.ge @!p0 [sflag:s13], $0xA00  }
0xf8: {  	[sflag:s13] =	ssyncset.done @!p0 $0x0  }
0xf9: {  	[sflag:s13] =	ssyncadd.s32 @!p0 $0xFFFFF600  }
0xfa: {  	[bflag:$0x0] =	sbarrier.arrive $0xFFFF  }
0xfb: {  	[spmem:s16] =	stream.linear.scatter [tilespmem:s28], [sflag:$0x2], $0x4000, $0x38;
	[tilespmem:$0x1F180] =	vst v63  }
0xfc: {  	_ =	swait.ge [sflag:s29], $0x4000  }
0xfd: {  	[sflag:s29] =	ssyncset.done $0x0  }
0xfe: {  	[sflag:s29] =	ssyncadd.s32 $0xFFFFC000  }
0xff: {  	[spmem:s21] =	stream.linear.scatter [tilespmem:s28], [sflag:$0x2], $0x4000, $0x38;
	[tilespmem:$0x1F180] =	vst v63  }
0x100: {  	_ =	swait.ge [sflag:s29], $0x4000  }
0x101: {  	[sflag:s29] =	ssyncset.done $0x0  }
0x102: {  	[sflag:s29] =	ssyncadd.s32 $0xFFFFC000  }
0x103: {  	[spmem:s19] =	stream.linear.scatter [tilespmem:s28], [sflag:$0x2], $0x4000, $0x38;
	[tilespmem:$0x1F180] =	vst v63  }
0x104: {  	_ =	swait.ge [sflag:s29], $0x4000  }
0x105: {  	[sflag:s29] =	ssyncset.done $0x0  }
0x106: {  	[sflag:s29] =	ssyncadd.s32 $0xFFFFC000  }
0x107: {  	[spmem:s20] =	stream.linear.scatter [tilespmem:s28], [sflag:$0x2], $0x4000, $0x38;
	[tilespmem:$0x1F180] =	vst v63  }
0x108: {  	_ =	swait.ge [sflag:s29], $0x4000  }
0x109: {  	[sflag:s29] =	ssyncset.done $0x0  }
0x10a: {  	[sflag:s29] =	ssyncadd.s32 $0xFFFFC000  }
0x10b: {  	[spmem:s17] =	stream.linear.scatter [tilespmem:s28], [sflag:$0x2], $0x4000, $0x38;
	[tilespmem:$0x1F180] =	vst v63  }
0x10c: {  	_ =	swait.ge [sflag:s29], $0x4000  }
0x10d: {  	[sflag:s29] =	ssyncset.done $0x0  }
0x10e: {  	[sflag:s29] =	ssyncadd.s32 $0xFFFFC000  }
0x10f: {  	s18 =	sadd.s32 $0x0, s26;
	[bflag:$0x0] =	sbarrier.arrive $0xFFFF  }
0x110: {  	[tilespmem:s30], [sflag:$0x2] =	stream.linear.gather [hbm4b:s18+s4], $0x80, $0x38;
	[tilespmem:$0x1F180] =	vst v63  }
0x111: {  	_ =	swait.ge [sflag:s29], $0x80  }
0x112: {  	[sflag:s29] =	ssyncset.done $0x0  }
0x113: {  	s22 =	smov.u32 s19;
	s19 =	sadd.s32 $0x0, s25;
	[sflag:s29] =	ssyncadd.s32 $0xFFFFFF80  }
0x114: {  	[tilespmem:s0], [sflag:$0x2] =	stream.linear.gather [hbm4b:s19+s4], $0x80, $0x38;
	[tilespmem:$0x1F180] =	vst v63  }
0x115: {  	_ =	swait.ge [sflag:s29], $0x80  }
0x116: {  	[sflag:s29] =	ssyncset.done $0x0  }
0x117: {  	s23 =	smov.u32 s20;
	s20 =	sadd.s32 $0x0, s24;
	[sflag:s29] =	ssyncadd.s32 $0xFFFFFF80  }
0x118: {  	[tilespmem:s1], [sflag:$0x2] =	stream.linear.gather [hbm4b:s20+s4], $0x80, $0x38;
	[tilespmem:$0x1F180] =	vst v63  }
0x119: {  	_ =	swait.ge [sflag:s29], $0x80  }
0x11a: {  	[sflag:s29] =	ssyncset.done $0x0  }
0x11b: {  	[sflag:s29] =	ssyncadd.s32 $0xFFFFFF80  }
0x11c: {  	v10 =	vld [tilespmem:$0x14A00]  }
0x11d: {  	v5 =	vld [tilespmem:$0x14AC0]  }
0x11e: {  	v7 =	vld [tilespmem:$0x14A80]  }
0x11f: {  	v8 =	vld [tilespmem:$0x14AE0]  }
0x120: {  	v4 =	vld [tilespmem:$0x14B30]  }
0x121: {  	v12 =	vld [tilespmem:$0x14B70]  }
0x122: {  	v6 =	vld [tilespmem:$0x14B10]  }
0x123: {  	v11 =	vld [tilespmem:$0x14B60]  }
0x124: {  	s12 =	simm.s32 $0x10;
	v9 =	vld [tilespmem:$0x14B40]  }
.LBB2_8:
0x125: {  	p1 =	sne.s32 s12, $0x9C0;
	v13 =	vld [tilespmem:$0x14B00];
	s13 =	smov.u32 s12;
	s12 =	sadd.s32 $0x10, s12  }
0x126: {  	v14 =	vld [tilespmem:$0x14AF0]  }
0x127: {  	v15 =	vld [tilespmem:$0x14A20]  }
0x128: {  	v16 =	vld [tilespmem:$0x14A30]  }
0x129: {  	v12 =	vmul.u32 $0x2800, v12;
	v17 =	vld [tilespmem:$0x14A40];
	v9 =	vmul.u32 $0x2800, v9  }
0x12a: {  	v10 =	vadd.s32 v1, v10;
	v11 =	vmul.u32 $0x2800, v11;
	v13 =	vmul.u32 $0x2800, v13;
	v18 =	vld [tilespmem:$0x14A10]  }
0x12b: {  	[tilespmem:$0x14B80] =	vst v10;
	v5 =	vadd.s32 v5, v9;
	v9 =	vld [tilespmem:$0x14A50];
	v10 =	vadd.s32 v14, v12  }
0x12c: {  	v8 =	vadd.s32 v8, v11;
	v7 =	vadd.s32 v7, v13;
	v12 =	vadd.s32 v1, v15;
	v13 =	vld [tilespmem:$0x14A60];
	[tilespmem:$0x14C70] =	vst v10  }
0x12d: {  	[tilespmem:$0x14BA0] =	vst v12;
	v10 =	vadd.s32 v1, v16;
	v11 =	vld [tilespmem:$0x14B50]  }
0x12e: {  	v12 =	vld [tilespmem:$0x14A90];
	[tilespmem:$0x14BB0] =	vst v10;
	v10 =	vadd.s32 v1, v17  }
0x12f: {  	v14 =	vadd.s32 v1, v18;
	v15 =	vld [tilespmem:$0x14AD0];
	[tilespmem:$0x14C60] =	vst v8  }
0x130: {  	[tilespmem:$0x14B90] =	vst v14;
	v8 =	vadd.s32 v1, v9;
	v9 =	vld [tilespmem:$0x14A70]  }
0x131: {  	v6 =	vmul.u32 $0x2800, v6;
	v14 =	vld [tilespmem:$0x14B20];
	[tilespmem:$0x14BD0] =	vst v8;
	v8 =	vadd.s32 v1, v13  }
0x132: {  	v13 =	vld [tilespmem:$0x14AB0];
	v11 =	vmul.u32 $0x2800, v11;
	[tilespmem:$0x14BE0] =	vst v8  }
0x133: {  	[tilespmem:$0x14C00] =	vst v7;
	v6 =	vadd.s32 v12, v6;
	v7 =	vld [tilespmem:$0x14AA0]  }
0x134: {  	[tilespmem:$0x14C10] =	vst v6;
	v6 =	vadd.s32 v15, v11  }
0x135: {  	[tilespmem:$0x14C50] =	vst v6;
	v6 =	vadd.s32 v1, v9  }
0x136: {  	v4 =	vmul.u32 $0x2800, v4;
	v8 =	vmul.u32 $0x2800, v14;
	[tilespmem:$0x14BF0] =	vst v6  }
0x137: {  	[tilespmem:$0x14C40] =	vst v5  }
0x138: {  	v4 =	vadd.s32 v13, v4;
	v5 =	vadd.s32 v7, v8;
	[tilespmem:$0x14BC0] =	vst v10  }
0x139: {  	[tilespmem:$0x14C30] =	vst v4  }
0x13a: {  	[tilespmem:$0x14C20] =	vst v5  }
0x13b: {  	[tilespmem:s7], [sflag:$0x1] =	stream.indirect.gather [hbm4b:s15+s5], $0x20, s6, s5, $0xb8;
	[tilespmem:$0x1F180] =	vst v63  }
0x13c: {  	_ =	swait.ge [sflag:s8], $0x1000  }
0x13d: {  	[sflag:s8] =	ssyncset.done $0x0  }
0x13e: {  	[sflag:s8] =	ssyncadd.s32 $0xFFFFF000  }
0x13f: {  	[spmem:s2] =	stream.indirect.scatter.add.f32 [tilespmem:s7], [sflag:$0x2], $0x20, s9, s5, $0xb8;
	[tilespmem:$0x1F180] =	vst v63  }
0x140: {  	_ =	swait.ge [sflag:s29], $0x1000  }
0x141: {  	[sflag:s29] =	ssyncset.done $0x0  }
0x142: {  	s14 =	sadd.s32 s13, s26;
	[sflag:s29] =	ssyncadd.s32 $0xFFFFF000  }
0x143: {  	[tilespmem:s30], [sflag:$0x2] =	stream.linear.gather [hbm4b:s14+s4], $0x80, $0x38;
	[tilespmem:$0x1F180] =	vst v63  }
0x144: {  	_ =	swait.ge [sflag:s29], $0x80  }
0x145: {  	[sflag:s29] =	ssyncset.done $0x0  }
0x146: {  	s14 =	sadd.s32 s13, s25;
	[sflag:s29] =	ssyncadd.s32 $0xFFFFFF80  }
0x147: {  	[tilespmem:s0], [sflag:$0x2] =	stream.linear.gather [hbm4b:s14+s4], $0x80, $0x38;
	[tilespmem:$0x1F180] =	vst v63  }
0x148: {  	_ =	swait.ge [sflag:s29], $0x80  }
0x149: {  	[sflag:s29] =	ssyncset.done $0x0  }
0x14a: {  	s13 =	sadd.s32 s13, s24;
	[sflag:s29] =	ssyncadd.s32 $0xFFFFFF80  }
0x14b: {  	[tilespmem:s1], [sflag:$0x2] =	stream.linear.gather [hbm4b:s13+s4], $0x80, $0x38;
	[tilespmem:$0x1F180] =	vst v63  }
0x14c: {  	_ =	swait.ge [sflag:s29], $0x80  }
0x14d: {  	[sflag:s29] =	ssyncset.done $0x0  }
0x14e: {  	[sflag:s29] =	ssyncadd.s32 $0xFFFFFF80  }
0x14f: {  	v10 =	vld [tilespmem:$0x14A00]  }
0x150: {  	v5 =	vld [tilespmem:$0x14AC0]  }
0x151: {  	v7 =	vld [tilespmem:$0x14A80]  }
0x152: {  	v8 =	vld [tilespmem:$0x14AE0]  }
.Ltmp3:
0x153: {  	v4 =	vld [tilespmem:$0x14B30];
	(pc) =	sbr.rel @p1 .LBB2_8-.Ltmp3, $4  }
0x154: {  	v12 =	vld [tilespmem:$0x14B70]  }
0x155: {  	v6 =	vld [tilespmem:$0x14B10]  }
0x156: {  	v11 =	vld [tilespmem:$0x14B60]  }
0x157: {  	v9 =	vld [tilespmem:$0x14B40]  }
0x158: {  	v13 =	vld [tilespmem:$0x14AF0]  }
0x159: {  	v14 =	vld [tilespmem:$0x14A20]  }
0x15a: {  	v15 =	vld [tilespmem:$0x14A30]  }
0x15b: {  	v16 =	vld [tilespmem:$0x14B00];
	v12 =	vmul.u32 $0x2800, v12  }
0x15c: {  	v10 =	vadd.s32 v1, v10;
	v17 =	vld [tilespmem:$0x14A10]  }
0x15d: {  	v44 =	vld [tilespmem:$0x14A50];
	[tilespmem:$0x14B80] =	vst v10;
	v12 =	vadd.s32 v13, v12  }
0x15e: {  	v46 =	vld [tilespmem:$0x14A60];
	v11 =	vmul.u32 $0x2800, v11;
	v45 =	vadd.s32 v1, v14;
	[tilespmem:$0x14C70] =	vst v12  }
0x15f: {  	v49 =	vld [tilespmem:$0x14A90];
	v47 =	vadd.s32 v1, v15;
	[tilespmem:$0x14BA0] =	vst v45  }
0x160: {  	v53 =	vld [tilespmem:$0x14A70];
	v8 =	vadd.s32 v8, v11;
	[tilespmem:$0x14BB0] =	vst v47  }
0x161: {  	v54 =	vld [tilespmem:$0x14A40];
	v50 =	vadd.s32 v1, v17;
	[tilespmem:$0x14C60] =	vst v8  }
0x162: {  	v57 =	vld [tilespmem:$0x14AB0];
	v6 =	vmul.u32 $0x2800, v6;
	v10 =	vadd.s32 v1, v44;
	[tilespmem:$0x14B90] =	vst v50  }
0x163: {  	v48 =	vld [tilespmem:$0x14B50];
	v55 =	vadd.s32 v1, v46;
	[tilespmem:$0x14BD0] =	vst v10  }
0x164: {  	v56 =	vld [tilespmem:$0x14B20];
	v6 =	vadd.s32 v49, v6;
	[tilespmem:$0x14BE0] =	vst v55  }
0x165: {  	v51 =	vld [tilespmem:$0x14AD0];
	v4 =	vmul.u32 $0x2800, v4;
	v61 =	vadd.s32 v1, v53;
	[tilespmem:$0x14C10] =	vst v6  }
0x166: {  	v59 =	vld [tilespmem:$0x14AA0];
	v58 =	vmul.u32 $0x2800, v9;
	v62 =	vadd.s32 v1, v54;
	[tilespmem:$0x14BF0] =	vst v61  }
0x167: {  	v52 =	vmul.u32 $0x2800, v16;
	v4 =	vadd.s32 v57, v4;
	[tilespmem:$0x14BC0] =	vst v62  }
0x168: {  	v13 =	vmul.u32 $0x2800, v48;
	v5 =	vadd.s32 v5, v58;
	[tilespmem:$0x14C30] =	vst v4  }
0x169: {  	v63 =	vmul.u32 $0x2800, v56;
	v7 =	vadd.s32 v7, v52;
	[tilespmem:$0x14C40] =	vst v5  }
0x16a: {  	v60 =	vadd.s32 v51, v13;
	[tilespmem:$0x14C00] =	vst v7  }
0x16b: {  	v5 =	vadd.s32 v59, v63;
	[tilespmem:$0x14C50] =	vst v60  }
0x16c: {  	[tilespmem:$0x14C20] =	vst v5  }
0x16d: {  	[tilespmem:s7], [sflag:$0x1] =	stream.indirect.gather [hbm4b:s15+s5], $0x20, s6, s5, $0xb8;
	[tilespmem:$0x1F180] =	vst v63  }
0x16e: {  	_ =	swait.ge [sflag:s8], $0x1000  }
0x16f: {  	[sflag:s8] =	ssyncset.done $0x0  }
0x170: {  	[sflag:s8] =	ssyncadd.s32 $0xFFFFF000  }
0x171: {  	[spmem:s2] =	stream.indirect.scatter.add.f32 [tilespmem:s7], [sflag:$0x2], $0x20, s9, s5, $0xb8;
	[tilespmem:$0x1F180] =	vst v63  }
0x172: {  	_ =	swait.ge [sflag:s29], $0x1000  }
0x173: {  	[sflag:s29] =	ssyncset.done $0x0  }
0x174: {  	[sflag:s29] =	ssyncadd.s32 $0xFFFFF000  }
0x175: {  	[bflag:$0x0] =	sbarrier.arrive $0xFFFF  }
0x176: {  	[tilespmem:s10], [sflag:$0x2] =	stream.linear.gather [spmem:s16], $0x4000, $0x38;
	[tilespmem:$0x1F180] =	vst v63  }
0x177: {  	_ =	swait.ge [sflag:s29], $0x4000  }
0x178: {  	[sflag:s29] =	ssyncset.done $0x0  }
0x179: {  	s12 =	rddreg [dreg:$0x9];
	[sflag:s29] =	ssyncadd.s32 $0xFFFFC000  }
0x17a: {  	[hbm4b:s12+s4] =	stream.linear.scatter [tilespmem:s10], [sflag:$0x2], $0x4000, $0x38;
	[tilespmem:$0x1F180] =	vst v63  }
0x17b: {  	_ =	swait.ge [sflag:s29], $0x4000  }
0x17c: {  	[sflag:s29] =	ssyncset.done $0x0  }
0x17d: {  	[sflag:s29] =	ssyncadd.s32 $0xFFFFC000  }
0x17e: {  	[tilespmem:s10], [sflag:$0x2] =	stream.linear.gather [spmem:s21], $0x4000, $0x38;
	[tilespmem:$0x1F180] =	vst v63  }
0x17f: {  	_ =	swait.ge [sflag:s29], $0x4000  }
0x180: {  	[sflag:s29] =	ssyncset.done $0x0  }
0x181: {  	s13 =	rddreg [dreg:$0xa];
	[sflag:s29] =	ssyncadd.s32 $0xFFFFC000  }
0x182: {  	[hbm4b:s13+s4] =	stream.linear.scatter [tilespmem:s10], [sflag:$0x2], $0x4000, $0x38;
	[tilespmem:$0x1F180] =	vst v63  }
0x183: {  	_ =	swait.ge [sflag:s29], $0x4000  }
0x184: {  	[sflag:s29] =	ssyncset.done $0x0  }
0x185: {  	[sflag:s29] =	ssyncadd.s32 $0xFFFFC000  }
0x186: {  	[tilespmem:s10], [sflag:$0x2] =	stream.linear.gather [spmem:s22], $0x4000, $0x38;
	[tilespmem:$0x1F180] =	vst v63  }
0x187: {  	_ =	swait.ge [sflag:s29], $0x4000  }
0x188: {  	[sflag:s29] =	ssyncset.done $0x0  }
0x189: {  	s14 =	rddreg [dreg:$0xb];
	[sflag:s29] =	ssyncadd.s32 $0xFFFFC000  }
0x18a: {  	[hbm4b:s14+s4] =	stream.linear.scatter [tilespmem:s10], [sflag:$0x2], $0x4000, $0x38;
	[tilespmem:$0x1F180] =	vst v63  }
0x18b: {  	_ =	swait.ge [sflag:s29], $0x4000  }
0x18c: {  	[sflag:s29] =	ssyncset.done $0x0  }
0x18d: {  	[sflag:s29] =	ssyncadd.s32 $0xFFFFC000  }
0x18e: {  	[tilespmem:s10], [sflag:$0x2] =	stream.linear.gather [spmem:s23], $0x4000, $0x38;
	[tilespmem:$0x1F180] =	vst v63  }
0x18f: {  	_ =	swait.ge [sflag:s29], $0x4000  }
0x190: {  	[sflag:s29] =	ssyncset.done $0x0  }
0x191: {  	s17 =	rddreg [dreg:$0xc];
	[sflag:s29] =	ssyncadd.s32 $0xFFFFC000  }
0x192: {  	[hbm4b:s17+s4] =	stream.linear.scatter [tilespmem:s10], [sflag:$0x2], $0x4000, $0x38;
	[tilespmem:$0x1F180] =	vst v63  }
0x193: {  	_ =	swait.ge [sflag:s29], $0x4000  }
0x194: {  	[sflag:s29] =	ssyncset.done $0x0  }
0x195: {  	s18 =	rddreg [dreg:$0xe];
	[sflag:s29] =	ssyncadd.s32 $0xFFFFC000  }
0x196: {  	[tilespmem:s10], [sflag:$0x2] =	stream.linear.gather [spmem:s18], $0x4000, $0x38;
	[tilespmem:$0x1F180] =	vst v63  }
0x197: {  	_ =	swait.ge [sflag:s29], $0x4000  }
0x198: {  	[sflag:s29] =	ssyncset.done $0x0  }
0x199: {  	s19 =	rddreg [dreg:$0xd];
	[sflag:s29] =	ssyncadd.s32 $0xFFFFC000  }
0x19a: {  	[hbm4b:s19+s4] =	stream.linear.scatter [tilespmem:s10], [sflag:$0x2], $0x4000, $0x38;
	[tilespmem:$0x1F180] =	vst v63  }
0x19b: {  	_ =	swait.ge [sflag:s29], $0x4000  }
0x19c: {  	s11 =	sadd.s32 $0x1, s11;
	s20 =	rddreg [dreg:$0x11]  }
0x19d: {  	p1 =	sne.s32 s11, s20  }
.Ltmp4:
0x19e: {  	_ = 	snop;
	(pc) =	sbr.rel @p1 .LBB2_1-.Ltmp4, $3  }
0x19f: {  	[sflag:s29] =	ssyncset.done $0x0  }
0x1a0: {  	[sflag:s29] =	ssyncadd.s32 $0xFFFFC000  }
0x1a1: {  	[bflag:$0x0] =	sbarrier.arrive $0xFFFF;
	_ =	sdelay $0x1  }
0x1a2: {  	_ =	sfence.sel $0x180000  }
0x1a3: {  	[bflag:$0x0] =	sbarrier.arrive $0xFFFF  }
0x1a4: {  	_ =	strace $0x90000047  }
0x1a5: {  	s0 =	stileid.u32;
	[bflag:$0x2] =	sbarrier.arrive $0xFFFF  }
0x1a6: {  	p0 =	sne.s32 s0, $0x0;
	s0 =	rddreg [dreg:$0x3]  }
0x1a7: {  	s0 =	sadd.s32 @!p0 $0x100000, s0  }
0x1a8: {  	[sflag:s0] =	ssyncadd.tile.s32 @!p0 $0x1;
	_ =	shalt  }
.Lfunc_end2:
_tile_overlayer_lowered:
.L_overlay_start_2:
0x1a9: {  	(tag) =	ssettag $0x2  }
0x1aa: {  	s0 =	rddreg [dreg:$0x0];
	s2 =	stileid.u32  }
0x1ab: {  	s1 =	rddreg [dreg:$0x1];
	p0 =	sne.s32 s2, $0x0  }
0x1ac: {  	s3 =	rddreg [dreg:$0x2];
	[bflag:$0x3] =	sbarrier.arrive $0xFFFF;
	s2 =	simm.s32 @!p0 $0x1C02  }
0x1ad: {  	[timem:s3], [sflag:s2] =	dma.local @!p0 [hbm:s0], s1  }
0x1ae: {  	s0 =	simm.s32 @!p0 $0x2  }
0x1af: {  	_ =	swait.ge @!p0 [sflag:s0], s1  }
0x1b0: {  	s1 =	ssub.s32 @!p0 $0x0, s1;
	[sflag:s0] =	ssyncset.done @!p0 $0x0  }
0x1b1: {  	[sflag:s0] =	ssyncadd.s32 @!p0 s1  }
0x1b2: {  	[bflag:$0x3] =	sbarrier.arrive $0xFFFF  }
0x1b3: {  	_ =	shalt  }

</sc_bundles>
